<compile_context>
chip_gen: v7x
topology: tpu7x:2x2x1
jax: 0.10.2.dev20260603
libtpu: 0.0.44.dev20260713+nightly
codegen_flags: <defaults>
</compile_context>

<pallas_src>
import functools

import numpy as np
import jax
import jax.numpy as jnp
from jax import lax
from jax.experimental import pallas as pl
from jax.experimental.pallas import tpu as pltpu
from jax.experimental.pallas import tpu_sc as plsc

NUM_EMBED = 8192
EMBED_FEATS = 256
IN_FEATS = 768
BATCH = 8
HW = 24
N_TOK = BATCH * HW * HW
COMMITMENT_COST = 0.25

TN = HW * HW
NT = N_TOK // TN
TE = 1024
NE = NUM_EMBED // TE
LANES = 128
NF = TE // LANES

NW = 32
BPW = N_TOK // NW
CH = BPW // 2
RPT = NUM_EMBED // 16


def _dist_body(x_ref, w_ref, b_ref, e_ref, idx_ref, dmin_ref, esq_s, e2_s):
    @pl.when(pl.program_id(0) == 0)
    def _():
        def prep(j, c):
            e = e_ref[pl.ds(j * TE, TE), :]
            e2_s[pl.ds(j * TE, TE), :] = e * (-2.0)
            esq_s[pl.ds(j * TE, TE)] = jnp.sum(e * e, axis=1)
            return c
        lax.fori_loop(0, NE, prep, 0)

    x = lax.dot_general(x_ref[0], w_ref[...], (((0,), (1,)), ((), ())),
                        preferred_element_type=jnp.float32) + b_ref[...]
    xsq = jnp.sum(x * x, axis=1, keepdims=True)

    def body(j, carry):
        bestv, besti = carry
        m2 = lax.dot_general(x, e2_s[pl.ds(j * TE, TE), :],
                             (((1,), (1,)), ((), ())),
                             preferred_element_type=jnp.float32)
        esq = esq_s[pl.ds(j * TE, TE)]
        for k in range(NF):
            v = (xsq + esq[None, k * LANES:(k + 1) * LANES]) \
                + m2[:, k * LANES:(k + 1) * LANES]
            upd = v < bestv
            bestv = jnp.where(upd, v, bestv)
            besti = jnp.where(upd, j * TE + k * LANES, besti)
        return bestv, besti

    bestv = jnp.full((TN, LANES), jnp.inf, jnp.float32)
    besti = jnp.zeros((TN, LANES), jnp.int32)
    bestv, besti = lax.fori_loop(0, NE, body, (bestv, besti), unroll=4)

    lane_iota = lax.broadcasted_iota(jnp.int32, (TN, LANES), 1)
    flat = besti + lane_iota
    gmin = jnp.min(bestv, axis=1)
    cand = jnp.where(bestv == gmin[:, None], flat, NUM_EMBED)
    idx_ref[0, 0, :] = jnp.min(cand, axis=1).astype(jnp.int32)
    dmin_ref[0, 0, :] = gmin


def _dist_call(x_nat, W, b2, embed, interpret=False):
    nb = x_nat.shape[0]
    return pl.pallas_call(
        _dist_body,
        grid=(nb,),
        in_specs=[
            pl.BlockSpec((1, IN_FEATS, TN), lambda i: (i, 0, 0)),
            pl.BlockSpec((EMBED_FEATS, IN_FEATS), lambda i: (0, 0)),
            pl.BlockSpec((1, EMBED_FEATS), lambda i: (0, 0)),
            pl.BlockSpec((NUM_EMBED, EMBED_FEATS), lambda i: (0, 0)),
        ],
        out_specs=[
            pl.BlockSpec((1, 1, TN), lambda i: (i, 0, 0)),
            pl.BlockSpec((1, 1, TN), lambda i: (i, 0, 0)),
        ],
        out_shape=[
            jax.ShapeDtypeStruct((nb, 1, TN), jnp.int32),
            jax.ShapeDtypeStruct((nb, 1, TN), jnp.float32),
        ],
        scratch_shapes=[
            pltpu.VMEM((NUM_EMBED,), jnp.float32),
            pltpu.VMEM((NUM_EMBED, EMBED_FEATS), jnp.float32),
        ],
        interpret=interpret,
    )(x_nat, W, b2, embed)


@functools.cache
def _sc_gather_fn(ntok):
    bpw = ntok // NW
    np_ = bpw // CH

    def body(embed_hbm, idx_hbm, zq_hbm, idx2_v, rows_v, sem):
        cid = lax.axis_index("c")
        sid = lax.axis_index("s")
        base = (sid * 2 + cid) * bpw
        for p in range(np_):
            pltpu.sync_copy(idx_hbm.at[pl.ds(base + p * CH, CH)],
                            idx2_v.at[p])
        cps = [pltpu.async_copy(embed_hbm.at[idx2_v.at[p]],
                                rows_v.at[pl.ds(p * CH, CH)], sem)
               for p in range(np_)]
        for c in cps:
            c.wait()
        pltpu.sync_copy(rows_v, zq_hbm.at[pl.ds(base, bpw)])

    return pl.kernel(
        body,
        out_type=jax.ShapeDtypeStruct((ntok, EMBED_FEATS), jnp.float32),
        mesh=plsc.VectorSubcoreMesh(core_axis_name="c", subcore_axis_name="s"),
        scratch_types=[
            pltpu.VMEM((np_, CH), jnp.int32),
            pltpu.VMEM((bpw, EMBED_FEATS), jnp.float32),
            pltpu.SemaphoreType.DMA,
        ],
    )


@functools.cache
def _sc_hist_fn(ntok):
    bpw = ntok // NW
    np_ = bpw // CH

    def body(idx_hbm, cnt_hbm, idx2_v, ones_v, zer_v, cnt_sh, sem):
        cid = lax.axis_index("c")
        sid = lax.axis_index("s")
        base = (sid * 2 + cid) * bpw
        for p in range(np_):
            pltpu.sync_copy(idx_hbm.at[pl.ds(base + p * CH, CH)],
                            idx2_v.at[p])

        def fill_ones(i, c):
            ones_v[i, :] = jnp.ones((16,), jnp.float32)
            return c
        lax.fori_loop(0, CH, fill_ones, 0)

        def fill_zer(i, c):
            zer_v[i, :] = jnp.zeros((16,), jnp.float32)
            return c
        lax.fori_loop(0, RPT, fill_zer, 0)

        pltpu.sync_copy(zer_v, cnt_sh.at[pl.ds(sid * RPT, RPT)])
        plsc.subcore_barrier()
        for p in range(np_):
            pltpu.sync_copy(ones_v, cnt_sh.at[idx2_v.at[p]], add=True)
        plsc.subcore_barrier()
        pltpu.sync_copy(cnt_sh.at[pl.ds(sid * RPT, RPT)],
                        cnt_hbm.at[cid, pl.ds(sid * RPT, RPT)])

    return pl.kernel(
        body,
        out_type=jax.ShapeDtypeStruct((2, NUM_EMBED, 16), jnp.float32),
        mesh=plsc.VectorSubcoreMesh(core_axis_name="c", subcore_axis_name="s"),
        compiler_params=pltpu.CompilerParams(use_tc_tiling_on_sc=False),
        scratch_types=[
            pltpu.VMEM((np_, CH), jnp.int32),
            pltpu.VMEM((CH, 16), jnp.float32),
            pltpu.VMEM((RPT, 16), jnp.float32),
            pltpu.VMEM_SHARED((NUM_EMBED, 16), jnp.float32),
            pltpu.SemaphoreType.DMA,
        ],
    )


def _fin_body(cnt_ref, dmin_ref, loss_ref, lp_ref):
    counts = cnt_ref[0] + cnt_ref[1]
    probs = counts / jnp.float32(N_TOK)
    lp = -jnp.sum(probs * jnp.log(probs + 1e-10)) / jnp.float32(16.0)
    loss = COMMITMENT_COST * (jnp.sum(dmin_ref[...]) /
                              jnp.float32(N_TOK * EMBED_FEATS))
    loss_ref[0, 0] = loss
    lp_ref[0, 0] = lp


def _fin_call(cnt, dmin, interpret=False):
    return pl.pallas_call(
        _fin_body,
        in_specs=[
            pl.BlockSpec(memory_space=pltpu.VMEM),
            pl.BlockSpec(memory_space=pltpu.VMEM),
        ],
        out_specs=[
            pl.BlockSpec(memory_space=pltpu.SMEM),
            pl.BlockSpec(memory_space=pltpu.SMEM),
        ],
        out_shape=[
            jax.ShapeDtypeStruct((1, 1), jnp.float32),
            jax.ShapeDtypeStruct((1, 1), jnp.float32),
        ],
        interpret=interpret,
    )(cnt, dmin)


def kernel(inputs, W, b, embed):
    x_nat = inputs.reshape(BATCH, IN_FEATS, TN)
    q_idx3, dmin3 = _dist_call(x_nat, W, b.reshape(1, EMBED_FEATS), embed)
    q_idx = q_idx3.reshape(N_TOK)
    z_q = _sc_gather_fn(N_TOK)(embed, q_idx)
    cnt = _sc_hist_fn(N_TOK)(q_idx)
    loss, lp = _fin_call(cnt.reshape(2, NUM_EMBED // 8, 128),
                         dmin3.reshape(N_TOK))
    z_q_out = jnp.transpose(z_q.reshape(BATCH, HW, HW, EMBED_FEATS),
                            (0, 3, 1, 2))
    num_spatial_positions = N_TOK / BATCH
    kldiv_r = np.log(NUM_EMBED) * num_spatial_positions * jnp.ones(
        (BATCH, 1), dtype=jnp.float32)
    return z_q_out, loss.reshape(()), kldiv_r, lp.reshape(())

# --- scband reference (transcript-rebuilt; emitter-appended) ---
"""Pipeline reference for scband-emakmeans-vector-quantizer-76115410420384 (READ-ONLY COPY).

The authoritative reference and input builder live on the scoring server;
editing this copy changes nothing except your own understanding.
"""

import jax, jax.numpy as jnp
import numpy as np

NUM_EMBED = 8192
EMBED_FEATS = 256
IN_FEATS = 768
COMMITMENT_COST = 0.25


def setup_inputs(seed: int = 0) -> dict:
    key = jax.random.key(seed)
    k1, k2, k3 = jax.random.split(key, 3)
    inputs = jax.random.normal(k1, (8, IN_FEATS, 24, 24), dtype=jnp.float32)
    # 1x1 Conv2d projection params (kernel_size=1 -> equivalent to a per-pixel Linear)
    W = jax.random.normal(k2, (EMBED_FEATS, IN_FEATS), dtype=jnp.float32) * (1.0 / np.sqrt(IN_FEATS))
    b = jnp.zeros((EMBED_FEATS,), dtype=jnp.float32)
    # codebook buffer, init normal std=1.0
    embed = jax.random.normal(k3, (NUM_EMBED, EMBED_FEATS), dtype=jnp.float32)
    return {"inputs": inputs, "W": W, "b": b, "embed": embed}


def _forward(inputs, W, b, embed):
    # projection: Conv2d with kernel_size=1  (B, 768, 24, 24) -> (B, 256, 24, 24)
    y = jnp.einsum('bchw,oc->bohw', inputs, W) + b[None, :, None, None]
    # inputs.transpose(1, -1): swap dims 1 and 3 -> (B, W, H, C)
    yt = jnp.transpose(y, (0, 3, 2, 1))
    input_shape = yt.shape
    flat_inputs = yt.reshape(-1, EMBED_FEATS)
    # squared euclidean distance to every codeword
    d2 = (jnp.sum(flat_inputs ** 2, axis=1, keepdims=True)
          + jnp.sum(embed ** 2, axis=1)
          - 2.0 * jnp.matmul(flat_inputs, embed.T))
    q_idx = jnp.argmin(d2, axis=1)
    # responsibilities r: one-hot scatter, then z_q = r @ embed (faithful to torch code)
    r = jax.nn.one_hot(q_idx, NUM_EMBED, dtype=flat_inputs.dtype)
    z_q = jnp.matmul(r, embed).reshape(input_shape)
    # eval mode: no EMA codebook update
    commitment_loss = jnp.mean((jax.lax.stop_gradient(z_q) - yt) ** 2)
    loss = COMMITMENT_COST * commitment_loss
    # straight-through estimator
    z_q_st = yt + jax.lax.stop_gradient(z_q - yt)
    probs = jnp.mean(r, axis=0)
    log_perplexity = -jnp.sum(probs * jnp.log(probs + 1e-10))
    num_spatial_positions = r.shape[0] / input_shape[0]
    kldiv_r = np.log(NUM_EMBED) * num_spatial_positions * jnp.ones((input_shape[0], 1), dtype=flat_inputs.dtype)
    z_q_out = jnp.transpose(z_q_st, (0, 3, 2, 1))
    return z_q_out, loss, kldiv_r, log_perplexity


def reference(inputs, W, b, embed):
    return _forward(inputs, W, b, embed)

if __name__ == "__main__":
    import jax
    _d = setup_inputs()
    print(jax.jit(kernel)(*tuple(_d.values())))

</pallas_src>

<mosaic_0001>
#map = affine_map<(d0, d1) -> (0)>
#map1 = affine_map<(d0, d1) -> (0, 0, 0)>
module attributes {stable_mosaic.version = 14 : i64} {
  func.func @body(%arg0: i32, %arg1: i32, %arg2: memref<4608xi32, #tpu.memory_space<hbm>>, %arg3: memref<2x8192x16xf32, #tpu.memory_space<hbm>>, %arg4: memref<2x72xi32, #tpu.memory_space<vmem>>, %arg5: memref<72x16xf32, #tpu.memory_space<vmem>>, %arg6: memref<512x16xf32, #tpu.memory_space<vmem>>, %arg7: memref<8192x16xf32, #tpu.memory_space<vmem_shared>>, %arg8: memref<!tpu.dma_semaphore, #tpu.memory_space<semaphore_mem>>) attributes {dimension_semantics = [#tpu.dimension_semantics<core_parallel>, #tpu.dimension_semantics<subcore_parallel>], iteration_bounds = array<i64: 2, 16>, scalar_prefetch = 0 : i64, scratch_operands = 5 : i64, tpu.core_type = #tpu.core_type<sc_vector_subcore>, window_params = [{transform_indices = #map}, {transform_indices = #map1}]} {
    %mul3A = arith.constant 2 : i32
    %mul3A_0 = arith.muli %arg1, %mul3A : i32
    %add3A = arith.addi %mul3A_0, %arg0 : i32
    %mul3A_1 = arith.constant 144 : i32
    %mul3A_2 = arith.muli %add3A, %mul3A_1 : i32
    %add3A_3 = arith.constant 0 : i32
    %add3A_4 = arith.addi %mul3A_2, %add3A_3 : i32
    %run_scoped3A = arith.constant 0 : i32
    "tpu.region"() ({
      %run_scoped3A_28 = tpu.sem_alloc : memref<!tpu.dma_semaphore, #tpu.memory_space<semaphore_mem>>
      %dma_start3A = arith.constant 0 : i32
      %dma_start3A_29 = tpu.memref_slice %arg4[%run_scoped3A, %dma_start3A] : memref<2x72xi32, #tpu.memory_space<vmem>> -> memref<1x72xi32, #tpu.memory_space<vmem>>
      %dma_start3A_30 = tpu.memref_squeeze %dma_start3A_29 : memref<1x72xi32, #tpu.memory_space<vmem>> -> memref<72xi32, #tpu.memory_space<vmem>>
      %dma_start3A_31 = tpu.memref_slice %arg2[%add3A_4] : memref<4608xi32, #tpu.memory_space<hbm>> -> memref<72xi32, #tpu.memory_space<hbm>>
      %dma_start3A_32 = arith.constant 0 : i32
      %dma_start3A_33 = tpu.memref_slice %arg4[%run_scoped3A, %dma_start3A_32] : memref<2x72xi32, #tpu.memory_space<vmem>> -> memref<1x72xi32, #tpu.memory_space<vmem>>
      %dma_start3A_34 = tpu.memref_squeeze %dma_start3A_33 : memref<1x72xi32, #tpu.memory_space<vmem>> -> memref<72xi32, #tpu.memory_space<vmem>>
      %dma_start3A_35 = tpu.memref_slice %arg2[%add3A_4] : memref<4608xi32, #tpu.memory_space<hbm>> -> memref<72xi32, #tpu.memory_space<hbm>>
      tpu.enqueue_dma source(%dma_start3A_35 : memref<72xi32, #tpu.memory_space<hbm>>) target(%dma_start3A_34 : memref<72xi32, #tpu.memory_space<vmem>>) target_semaphore(%run_scoped3A_28 : memref<!tpu.dma_semaphore, #tpu.memory_space<semaphore_mem>>)
      %dma_wait3A = arith.constant 0 : i32
      %dma_wait3A_36 = tpu.memref_slice %arg4[%run_scoped3A, %dma_wait3A] : memref<2x72xi32, #tpu.memory_space<vmem>> -> memref<1x72xi32, #tpu.memory_space<vmem>>
      %dma_wait3A_37 = tpu.memref_squeeze %dma_wait3A_36 : memref<1x72xi32, #tpu.memory_space<vmem>> -> memref<72xi32, #tpu.memory_space<vmem>>
      %dma_wait3A_38 = tpu.memref_slice %arg2[%add3A_4] : memref<4608xi32, #tpu.memory_space<hbm>> -> memref<72xi32, #tpu.memory_space<hbm>>
      %dma_wait3A_39 = arith.constant 0 : i32
      %dma_wait3A_40 = tpu.memref_slice %arg4[%run_scoped3A, %dma_wait3A_39] : memref<2x72xi32, #tpu.memory_space<vmem>> -> memref<1x72xi32, #tpu.memory_space<vmem>>
      %dma_wait3A_41 = tpu.memref_squeeze %dma_wait3A_40 : memref<1x72xi32, #tpu.memory_space<vmem>> -> memref<72xi32, #tpu.memory_space<vmem>>
      %dma_wait3A_42 = tpu.memref_slice %arg2[%add3A_4] : memref<4608xi32, #tpu.memory_space<hbm>> -> memref<72xi32, #tpu.memory_space<hbm>>
      tpu.wait_dma2 semaphore(%run_scoped3A_28 : memref<!tpu.dma_semaphore, #tpu.memory_space<semaphore_mem>>) src(%dma_wait3A_42 : memref<72xi32, #tpu.memory_space<hbm>>) dst(%dma_wait3A_41 : memref<72xi32, #tpu.memory_space<vmem>>)
      tpu.yield
    }) : () -> ()
    %add3A_5 = arith.constant 72 : i32
    %add3A_6 = arith.addi %mul3A_2, %add3A_5 : i32
    %run_scoped3A_7 = arith.constant 1 : i32
    "tpu.region"() ({
      %run_scoped3A_28 = tpu.sem_alloc : memref<!tpu.dma_semaphore, #tpu.memory_space<semaphore_mem>>
      %dma_start3A = arith.constant 0 : i32
      %dma_start3A_29 = tpu.memref_slice %arg4[%run_scoped3A_7, %dma_start3A] : memref<2x72xi32, #tpu.memory_space<vmem>> -> memref<1x72xi32, #tpu.memory_space<vmem>>
      %dma_start3A_30 = tpu.memref_squeeze %dma_start3A_29 : memref<1x72xi32, #tpu.memory_space<vmem>> -> memref<72xi32, #tpu.memory_space<vmem>>
      %dma_start3A_31 = tpu.memref_slice %arg2[%add3A_6] : memref<4608xi32, #tpu.memory_space<hbm>> -> memref<72xi32, #tpu.memory_space<hbm>>
      %dma_start3A_32 = arith.constant 0 : i32
      %dma_start3A_33 = tpu.memref_slice %arg4[%run_scoped3A_7, %dma_start3A_32] : memref<2x72xi32, #tpu.memory_space<vmem>> -> memref<1x72xi32, #tpu.memory_space<vmem>>
      %dma_start3A_34 = tpu.memref_squeeze %dma_start3A_33 : memref<1x72xi32, #tpu.memory_space<vmem>> -> memref<72xi32, #tpu.memory_space<vmem>>
      %dma_start3A_35 = tpu.memref_slice %arg2[%add3A_6] : memref<4608xi32, #tpu.memory_space<hbm>> -> memref<72xi32, #tpu.memory_space<hbm>>
      tpu.enqueue_dma source(%dma_start3A_35 : memref<72xi32, #tpu.memory_space<hbm>>) target(%dma_start3A_34 : memref<72xi32, #tpu.memory_space<vmem>>) target_semaphore(%run_scoped3A_28 : memref<!tpu.dma_semaphore, #tpu.memory_space<semaphore_mem>>)
      %dma_wait3A = arith.constant 0 : i32
      %dma_wait3A_36 = tpu.memref_slice %arg4[%run_scoped3A_7, %dma_wait3A] : memref<2x72xi32, #tpu.memory_space<vmem>> -> memref<1x72xi32, #tpu.memory_space<vmem>>
      %dma_wait3A_37 = tpu.memref_squeeze %dma_wait3A_36 : memref<1x72xi32, #tpu.memory_space<vmem>> -> memref<72xi32, #tpu.memory_space<vmem>>
      %dma_wait3A_38 = tpu.memref_slice %arg2[%add3A_6] : memref<4608xi32, #tpu.memory_space<hbm>> -> memref<72xi32, #tpu.memory_space<hbm>>
      %dma_wait3A_39 = arith.constant 0 : i32
      %dma_wait3A_40 = tpu.memref_slice %arg4[%run_scoped3A_7, %dma_wait3A_39] : memref<2x72xi32, #tpu.memory_space<vmem>> -> memref<1x72xi32, #tpu.memory_space<vmem>>
      %dma_wait3A_41 = tpu.memref_squeeze %dma_wait3A_40 : memref<1x72xi32, #tpu.memory_space<vmem>> -> memref<72xi32, #tpu.memory_space<vmem>>
      %dma_wait3A_42 = tpu.memref_slice %arg2[%add3A_6] : memref<4608xi32, #tpu.memory_space<hbm>> -> memref<72xi32, #tpu.memory_space<hbm>>
      tpu.wait_dma2 semaphore(%run_scoped3A_28 : memref<!tpu.dma_semaphore, #tpu.memory_space<semaphore_mem>>) src(%dma_wait3A_42 : memref<72xi32, #tpu.memory_space<hbm>>) dst(%dma_wait3A_41 : memref<72xi32, #tpu.memory_space<vmem>>)
      tpu.yield
    }) : () -> ()
    %scan3A = arith.constant 0 : i32
    %scan3A_8 = arith.constant 0 : i32
    %scan3A_9 = arith.constant 72 : i32
    %scan3A_10 = arith.addi %scan3A_8, %scan3A_9 : i32
    %scan3A_11 = arith.constant 1 : i32
    scf.for %scan3A_28 = %scan3A_8 to %scan3A_10 step %scan3A_11  : i32 {
      %broadcast_in_dim3A = arith.constant 1.000000e+00 : f32
      %broadcast_in_dim3A_29 = vector.broadcast %broadcast_in_dim3A : f32 to vector<16xf32>
      %swap3A = arith.index_cast %scan3A_28 : i32 to index
      %swap3A_30 = arith.constant 0 : index
      %swap3A_31 = tpu.vector_load %arg5[%swap3A, %swap3A_30] {strides = array<i32>} : memref<72x16xf32, #tpu.memory_space<vmem>>, vector<1x16xf32>,
      %swap3A_32 = vector.shape_cast %swap3A_31 : vector<1x16xf32> to vector<16xf32>
      %swap3A_33 = vector.shape_cast %broadcast_in_dim3A_29 : vector<16xf32> to vector<1x16xf32>
      tpu.vector_store %arg5[%swap3A, %swap3A_30], %swap3A_33 {strides = array<i32>} : memref<72x16xf32, #tpu.memory_space<vmem>>, vector<1x16xf32>,
    }
    %scan3A_12 = arith.constant 72 : i32
    %scan3A_13 = arith.constant 0 : i32
    %scan3A_14 = arith.constant 0 : i32
    %scan3A_15 = arith.constant 512 : i32
    %scan3A_16 = arith.addi %scan3A_14, %scan3A_15 : i32
    %scan3A_17 = arith.constant 1 : i32
    scf.for %scan3A_28 = %scan3A_14 to %scan3A_16 step %scan3A_17  : i32 {
      %broadcast_in_dim3A = arith.constant 0.000000e+00 : f32
      %broadcast_in_dim3A_29 = vector.broadcast %broadcast_in_dim3A : f32 to vector<16xf32>
      %swap3A = arith.index_cast %scan3A_28 : i32 to index
      %swap3A_30 = arith.constant 0 : index
      %swap3A_31 = tpu.vector_load %arg6[%swap3A, %swap3A_30] {strides = array<i32>} : memref<512x16xf32, #tpu.memory_space<vmem>>, vector<1x16xf32>,
      %swap3A_32 = vector.shape_cast %swap3A_31 : vector<1x16xf32> to vector<16xf32>
      %swap3A_33 = vector.shape_cast %broadcast_in_dim3A_29 : vector<16xf32> to vector<1x16xf32>
      tpu.vector_store %arg6[%swap3A, %swap3A_30], %swap3A_33 {strides = array<i32>} : memref<512x16xf32, #tpu.memory_space<vmem>>, vector<1x16xf32>,
    }
    %scan3A_18 = arith.constant 512 : i32
    %mul3A_19 = arith.constant 512 : i32
    %mul3A_20 = arith.muli %arg1, %mul3A_19 : i32
    "tpu.region"() ({
      %run_scoped3A_28 = tpu.sem_alloc : memref<!tpu.dma_semaphore, #tpu.memory_space<semaphore_mem>>
      %dma_start3A = arith.constant 0 : i32
      %dma_start3A_29 = tpu.memref_slice %arg7[%mul3A_20, %dma_start3A] : memref<8192x16xf32, #tpu.memory_space<vmem_shared>> -> memref<512x16xf32, #tpu.memory_space<vmem_shared>>
      %dma_start3A_30 = arith.constant 0 : i32
      %dma_start3A_31 = tpu.memref_slice %arg7[%mul3A_20, %dma_start3A_30] : memref<8192x16xf32, #tpu.memory_space<vmem_shared>> -> memref<512x16xf32, #tpu.memory_space<vmem_shared>>
      tpu.enqueue_dma source(%arg6 : memref<512x16xf32, #tpu.memory_space<vmem>>) target(%dma_start3A_31 : memref<512x16xf32, #tpu.memory_space<vmem_shared>>) target_semaphore(%run_scoped3A_28 : memref<!tpu.dma_semaphore, #tpu.memory_space<semaphore_mem>>)
      %dma_wait3A = arith.constant 0 : i32
      %dma_wait3A_32 = tpu.memref_slice %arg7[%mul3A_20, %dma_wait3A] : memref<8192x16xf32, #tpu.memory_space<vmem_shared>> -> memref<512x16xf32, #tpu.memory_space<vmem_shared>>
      %dma_wait3A_33 = arith.constant 0 : i32
      %dma_wait3A_34 = tpu.memref_slice %arg7[%mul3A_20, %dma_wait3A_33] : memref<8192x16xf32, #tpu.memory_space<vmem_shared>> -> memref<512x16xf32, #tpu.memory_space<vmem_shared>>
      tpu.wait_dma2 semaphore(%run_scoped3A_28 : memref<!tpu.dma_semaphore, #tpu.memory_space<semaphore_mem>>) src(%arg6 : memref<512x16xf32, #tpu.memory_space<vmem>>) dst(%dma_wait3A_34 : memref<512x16xf32, #tpu.memory_space<vmem_shared>>)
      tpu.yield
    }) : () -> ()
    %barrier3A = arith.constant 0 : index
    tpu.barrier barrier_id(%barrier3A)
    %run_scoped3A_21 = arith.constant 0 : i32
    "tpu.region"() ({
      %run_scoped3A_28 = tpu.sem_alloc : memref<!tpu.dma_semaphore, #tpu.memory_space<semaphore_mem>>
      %dma_start3A = arith.constant 0 : i32
      %dma_start3A_29 = tpu.memref_slice %arg4[%run_scoped3A_21, %dma_start3A] : memref<2x72xi32, #tpu.memory_space<vmem>> -> memref<1x72xi32, #tpu.memory_space<vmem>>
      %dma_start3A_30 = tpu.memref_squeeze %dma_start3A_29 : memref<1x72xi32, #tpu.memory_space<vmem>> -> memref<72xi32, #tpu.memory_space<vmem>>
      %dma_start3A_31 = arith.constant 0 : i32
      %dma_start3A_32 = arith.constant 0 : i32
      %dma_start3A_33 = tpu.memref_slice %arg7[%dma_start3A_31, %dma_start3A_32] : memref<8192x16xf32, #tpu.memory_space<vmem_shared>> -> memref<8192x16xf32, #tpu.memory_space<vmem_shared>>
      tpu.enqueue_indirect_dma source(%arg5 : memref<72x16xf32, #tpu.memory_space<vmem>>) target(%dma_start3A_33 : memref<8192x16xf32, #tpu.memory_space<vmem_shared>>) offsets(%dma_start3A_30 : memref<72xi32, #tpu.memory_space<vmem>>) semaphore(%run_scoped3A_28 : memref<!tpu.dma_semaphore, #tpu.memory_space<semaphore_mem>>) {add = true}
      %dma_wait3A = arith.constant 0 : i32
      %dma_wait3A_34 = tpu.memref_slice %arg4[%run_scoped3A_21, %dma_wait3A] : memref<2x72xi32, #tpu.memory_space<vmem>> -> memref<1x72xi32, #tpu.memory_space<vmem>>
      %dma_wait3A_35 = tpu.memref_squeeze %dma_wait3A_34 : memref<1x72xi32, #tpu.memory_space<vmem>> -> memref<72xi32, #tpu.memory_space<vmem>>
      %dma_wait3A_36 = arith.constant 0 : i32
      %dma_wait3A_37 = arith.constant 0 : i32
      %dma_wait3A_38 = tpu.memref_slice %arg7[%dma_wait3A_36, %dma_wait3A_37] : memref<8192x16xf32, #tpu.memory_space<vmem_shared>> -> memref<8192x16xf32, #tpu.memory_space<vmem_shared>>
      tpu.wait_indirect_dma semaphore(%run_scoped3A_28 : memref<!tpu.dma_semaphore, #tpu.memory_space<semaphore_mem>>) src(%arg5 : memref<72x16xf32, #tpu.memory_space<vmem>>) dst(%dma_wait3A_38 : memref<8192x16xf32, #tpu.memory_space<vmem_shared>>)
      tpu.yield
    }) : () -> ()
    %run_scoped3A_22 = arith.constant 1 : i32
    "tpu.region"() ({
      %run_scoped3A_28 = tpu.sem_alloc : memref<!tpu.dma_semaphore, #tpu.memory_space<semaphore_mem>>
      %dma_start3A = arith.constant 0 : i32
      %dma_start3A_29 = tpu.memref_slice %arg4[%run_scoped3A_22, %dma_start3A] : memref<2x72xi32, #tpu.memory_space<vmem>> -> memref<1x72xi32, #tpu.memory_space<vmem>>
      %dma_start3A_30 = tpu.memref_squeeze %dma_start3A_29 : memref<1x72xi32, #tpu.memory_space<vmem>> -> memref<72xi32, #tpu.memory_space<vmem>>
      %dma_start3A_31 = arith.constant 0 : i32
      %dma_start3A_32 = arith.constant 0 : i32
      %dma_start3A_33 = tpu.memref_slice %arg7[%dma_start3A_31, %dma_start3A_32] : memref<8192x16xf32, #tpu.memory_space<vmem_shared>> -> memref<8192x16xf32, #tpu.memory_space<vmem_shared>>
      tpu.enqueue_indirect_dma source(%arg5 : memref<72x16xf32, #tpu.memory_space<vmem>>) target(%dma_start3A_33 : memref<8192x16xf32, #tpu.memory_space<vmem_shared>>) offsets(%dma_start3A_30 : memref<72xi32, #tpu.memory_space<vmem>>) semaphore(%run_scoped3A_28 : memref<!tpu.dma_semaphore, #tpu.memory_space<semaphore_mem>>) {add = true}
      %dma_wait3A = arith.constant 0 : i32
      %dma_wait3A_34 = tpu.memref_slice %arg4[%run_scoped3A_22, %dma_wait3A] : memref<2x72xi32, #tpu.memory_space<vmem>> -> memref<1x72xi32, #tpu.memory_space<vmem>>
      %dma_wait3A_35 = tpu.memref_squeeze %dma_wait3A_34 : memref<1x72xi32, #tpu.memory_space<vmem>> -> memref<72xi32, #tpu.memory_space<vmem>>
      %dma_wait3A_36 = arith.constant 0 : i32
      %dma_wait3A_37 = arith.constant 0 : i32
      %dma_wait3A_38 = tpu.memref_slice %arg7[%dma_wait3A_36, %dma_wait3A_37] : memref<8192x16xf32, #tpu.memory_space<vmem_shared>> -> memref<8192x16xf32, #tpu.memory_space<vmem_shared>>
      tpu.wait_indirect_dma semaphore(%run_scoped3A_28 : memref<!tpu.dma_semaphore, #tpu.memory_space<semaphore_mem>>) src(%arg5 : memref<72x16xf32, #tpu.memory_space<vmem>>) dst(%dma_wait3A_38 : memref<8192x16xf32, #tpu.memory_space<vmem_shared>>)
      tpu.yield
    }) : () -> ()
    %barrier3A_23 = arith.constant 0 : index
    tpu.barrier barrier_id(%barrier3A_23)
    %mul3A_24 = arith.constant 512 : i32
    %mul3A_25 = arith.muli %arg1, %mul3A_24 : i32
    %mul3A_26 = arith.constant 512 : i32
    %mul3A_27 = arith.muli %arg1, %mul3A_26 : i32
    "tpu.region"() ({
      %run_scoped3A_28 = tpu.sem_alloc : memref<!tpu.dma_semaphore, #tpu.memory_space<semaphore_mem>>
      %dma_start3A = arith.constant 0 : i32
      %dma_start3A_29 = tpu.memref_slice %arg3[%arg0, %mul3A_27, %dma_start3A] : memref<2x8192x16xf32, #tpu.memory_space<hbm>> -> memref<1x512x16xf32, #tpu.memory_space<hbm>>
      %dma_start3A_30 = tpu.memref_squeeze %dma_start3A_29 : memref<1x512x16xf32, #tpu.memory_space<hbm>> -> memref<512x16xf32, #tpu.memory_space<hbm>>
      %dma_start3A_31 = arith.constant 0 : i32
      %dma_start3A_32 = tpu.memref_slice %arg7[%mul3A_25, %dma_start3A_31] : memref<8192x16xf32, #tpu.memory_space<vmem_shared>> -> memref<512x16xf32, #tpu.memory_space<vmem_shared>>
      tpu.enqueue_dma source(%dma_start3A_32 : memref<512x16xf32, #tpu.memory_space<vmem_shared>>) target(%dma_start3A_30 : memref<512x16xf32, #tpu.memory_space<hbm>>) target_semaphore(%run_scoped3A_28 : memref<!tpu.dma_semaphore, #tpu.memory_space<semaphore_mem>>)
      %dma_wait3A = arith.constant 0 : i32
      %dma_wait3A_33 = tpu.memref_slice %arg3[%arg0, %mul3A_27, %dma_wait3A] : memref<2x8192x16xf32, #tpu.memory_space<hbm>> -> memref<1x512x16xf32, #tpu.memory_space<hbm>>
      %dma_wait3A_34 = tpu.memref_squeeze %dma_wait3A_33 : memref<1x512x16xf32, #tpu.memory_space<hbm>> -> memref<512x16xf32, #tpu.memory_space<hbm>>
      %dma_wait3A_35 = arith.constant 0 : i32
      %dma_wait3A_36 = tpu.memref_slice %arg7[%mul3A_25, %dma_wait3A_35] : memref<8192x16xf32, #tpu.memory_space<vmem_shared>> -> memref<512x16xf32, #tpu.memory_space<vmem_shared>>
      tpu.wait_dma2 semaphore(%run_scoped3A_28 : memref<!tpu.dma_semaphore, #tpu.memory_space<semaphore_mem>>) src(%dma_wait3A_36 : memref<512x16xf32, #tpu.memory_space<vmem_shared>>) dst(%dma_wait3A_34 : memref<512x16xf32, #tpu.memory_space<hbm>>)
      tpu.yield
    }) : () -> ()
    return
  }
}

#map = affine_map<(d0, d1) -> (0, 0)>
#map1 = affine_map<(d0, d1) -> (0)>
module attributes {stable_mosaic.version = 14 : i64} {
  func.func @body(%arg0: i32, %arg1: i32, %arg2: memref<8192x256xf32, #tpu.memory_space<hbm>>, %arg3: memref<4608xi32, #tpu.memory_space<hbm>>, %arg4: memref<4608x256xf32, #tpu.memory_space<hbm>>, %arg5: memref<2x72xi32, #tpu.memory_space<vmem>>, %arg6: memref<144x256xf32, #tpu.memory_space<vmem>>, %arg7: memref<!tpu.dma_semaphore, #tpu.memory_space<semaphore_mem>>) attributes {dimension_semantics = [#tpu.dimension_semantics<core_parallel>, #tpu.dimension_semantics<subcore_parallel>], iteration_bounds = array<i64: 2, 16>, scalar_prefetch = 0 : i64, scratch_operands = 3 : i64, tpu.core_type = #tpu.core_type<sc_vector_subcore>, window_params = [{transform_indices = #map}, {transform_indices = #map1}, {transform_indices = #map}]} {
    %mul3A = arith.constant 2 : i32
    %mul3A_0 = arith.muli %arg1, %mul3A : i32
    %add3A = arith.addi %mul3A_0, %arg0 : i32
    %mul3A_1 = arith.constant 144 : i32
    %mul3A_2 = arith.muli %add3A, %mul3A_1 : i32
    %add3A_3 = arith.constant 0 : i32
    %add3A_4 = arith.addi %mul3A_2, %add3A_3 : i32
    %run_scoped3A = arith.constant 0 : i32
    "tpu.region"() ({
      %run_scoped3A_46 = tpu.sem_alloc : memref<!tpu.dma_semaphore, #tpu.memory_space<semaphore_mem>>
      %dma_start3A_47 = arith.constant 0 : i32
      %dma_start3A_48 = tpu.memref_slice %arg5[%run_scoped3A, %dma_start3A_47] : memref<2x72xi32, #tpu.memory_space<vmem>> -> memref<1x72xi32, #tpu.memory_space<vmem>>
      %dma_start3A_49 = tpu.memref_squeeze %dma_start3A_48 : memref<1x72xi32, #tpu.memory_space<vmem>> -> memref<72xi32, #tpu.memory_space<vmem>>
      %dma_start3A_50 = tpu.memref_slice %arg3[%add3A_4] : memref<4608xi32, #tpu.memory_space<hbm>> -> memref<72xi32, #tpu.memory_space<hbm>>
      %dma_start3A_51 = arith.constant 0 : i32
      %dma_start3A_52 = tpu.memref_slice %arg5[%run_scoped3A, %dma_start3A_51] : memref<2x72xi32, #tpu.memory_space<vmem>> -> memref<1x72xi32, #tpu.memory_space<vmem>>
      %dma_start3A_53 = tpu.memref_squeeze %dma_start3A_52 : memref<1x72xi32, #tpu.memory_space<vmem>> -> memref<72xi32, #tpu.memory_space<vmem>>
      %dma_start3A_54 = tpu.memref_slice %arg3[%add3A_4] : memref<4608xi32, #tpu.memory_space<hbm>> -> memref<72xi32, #tpu.memory_space<hbm>>
      tpu.enqueue_dma source(%dma_start3A_54 : memref<72xi32, #tpu.memory_space<hbm>>) target(%dma_start3A_53 : memref<72xi32, #tpu.memory_space<vmem>>) target_semaphore(%run_scoped3A_46 : memref<!tpu.dma_semaphore, #tpu.memory_space<semaphore_mem>>)
      %dma_wait3A_55 = arith.constant 0 : i32
      %dma_wait3A_56 = tpu.memref_slice %arg5[%run_scoped3A, %dma_wait3A_55] : memref<2x72xi32, #tpu.memory_space<vmem>> -> memref<1x72xi32, #tpu.memory_space<vmem>>
      %dma_wait3A_57 = tpu.memref_squeeze %dma_wait3A_56 : memref<1x72xi32, #tpu.memory_space<vmem>> -> memref<72xi32, #tpu.memory_space<vmem>>
      %dma_wait3A_58 = tpu.memref_slice %arg3[%add3A_4] : memref<4608xi32, #tpu.memory_space<hbm>> -> memref<72xi32, #tpu.memory_space<hbm>>
      %dma_wait3A_59 = arith.constant 0 : i32
      %dma_wait3A_60 = tpu.memref_slice %arg5[%run_scoped3A, %dma_wait3A_59] : memref<2x72xi32, #tpu.memory_space<vmem>> -> memref<1x72xi32, #tpu.memory_space<vmem>>
      %dma_wait3A_61 = tpu.memref_squeeze %dma_wait3A_60 : memref<1x72xi32, #tpu.memory_space<vmem>> -> memref<72xi32, #tpu.memory_space<vmem>>
      %dma_wait3A_62 = tpu.memref_slice %arg3[%add3A_4] : memref<4608xi32, #tpu.memory_space<hbm>> -> memref<72xi32, #tpu.memory_space<hbm>>
      tpu.wait_dma2 semaphore(%run_scoped3A_46 : memref<!tpu.dma_semaphore, #tpu.memory_space<semaphore_mem>>) src(%dma_wait3A_62 : memref<72xi32, #tpu.memory_space<hbm>>) dst(%dma_wait3A_61 : memref<72xi32, #tpu.memory_space<vmem>>)
      tpu.yield
    }) : () -> ()
    %add3A_5 = arith.constant 72 : i32
    %add3A_6 = arith.addi %mul3A_2, %add3A_5 : i32
    %run_scoped3A_7 = arith.constant 1 : i32
    "tpu.region"() ({
      %run_scoped3A_46 = tpu.sem_alloc : memref<!tpu.dma_semaphore, #tpu.memory_space<semaphore_mem>>
      %dma_start3A_47 = arith.constant 0 : i32
      %dma_start3A_48 = tpu.memref_slice %arg5[%run_scoped3A_7, %dma_start3A_47] : memref<2x72xi32, #tpu.memory_space<vmem>> -> memref<1x72xi32, #tpu.memory_space<vmem>>
      %dma_start3A_49 = tpu.memref_squeeze %dma_start3A_48 : memref<1x72xi32, #tpu.memory_space<vmem>> -> memref<72xi32, #tpu.memory_space<vmem>>
      %dma_start3A_50 = tpu.memref_slice %arg3[%add3A_6] : memref<4608xi32, #tpu.memory_space<hbm>> -> memref<72xi32, #tpu.memory_space<hbm>>
      %dma_start3A_51 = arith.constant 0 : i32
      %dma_start3A_52 = tpu.memref_slice %arg5[%run_scoped3A_7, %dma_start3A_51] : memref<2x72xi32, #tpu.memory_space<vmem>> -> memref<1x72xi32, #tpu.memory_space<vmem>>
      %dma_start3A_53 = tpu.memref_squeeze %dma_start3A_52 : memref<1x72xi32, #tpu.memory_space<vmem>> -> memref<72xi32, #tpu.memory_space<vmem>>
      %dma_start3A_54 = tpu.memref_slice %arg3[%add3A_6] : memref<4608xi32, #tpu.memory_space<hbm>> -> memref<72xi32, #tpu.memory_space<hbm>>
      tpu.enqueue_dma source(%dma_start3A_54 : memref<72xi32, #tpu.memory_space<hbm>>) target(%dma_start3A_53 : memref<72xi32, #tpu.memory_space<vmem>>) target_semaphore(%run_scoped3A_46 : memref<!tpu.dma_semaphore, #tpu.memory_space<semaphore_mem>>)
      %dma_wait3A_55 = arith.constant 0 : i32
      %dma_wait3A_56 = tpu.memref_slice %arg5[%run_scoped3A_7, %dma_wait3A_55] : memref<2x72xi32, #tpu.memory_space<vmem>> -> memref<1x72xi32, #tpu.memory_space<vmem>>
      %dma_wait3A_57 = tpu.memref_squeeze %dma_wait3A_56 : memref<1x72xi32, #tpu.memory_space<vmem>> -> memref<72xi32, #tpu.memory_space<vmem>>
      %dma_wait3A_58 = tpu.memref_slice %arg3[%add3A_6] : memref<4608xi32, #tpu.memory_space<hbm>> -> memref<72xi32, #tpu.memory_space<hbm>>
      %dma_wait3A_59 = arith.constant 0 : i32
      %dma_wait3A_60 = tpu.memref_slice %arg5[%run_scoped3A_7, %dma_wait3A_59] : memref<2x72xi32, #tpu.memory_space<vmem>> -> memref<1x72xi32, #tpu.memory_space<vmem>>
      %dma_wait3A_61 = tpu.memref_squeeze %dma_wait3A_60 : memref<1x72xi32, #tpu.memory_space<vmem>> -> memref<72xi32, #tpu.memory_space<vmem>>
      %dma_wait3A_62 = tpu.memref_slice %arg3[%add3A_6] : memref<4608xi32, #tpu.memory_space<hbm>> -> memref<72xi32, #tpu.memory_space<hbm>>
      tpu.wait_dma2 semaphore(%run_scoped3A_46 : memref<!tpu.dma_semaphore, #tpu.memory_space<semaphore_mem>>) src(%dma_wait3A_62 : memref<72xi32, #tpu.memory_space<hbm>>) dst(%dma_wait3A_61 : memref<72xi32, #tpu.memory_space<vmem>>)
      tpu.yield
    }) : () -> ()
    %dma_start3A = arith.constant 0 : i32
    %dma_start3A_8 = arith.constant 0 : i32
    %dma_start3A_9 = arith.constant 0 : i32
    %dma_start3A_10 = tpu.memref_slice %arg6[%dma_start3A_8, %dma_start3A_9] : memref<144x256xf32, #tpu.memory_space<vmem>> -> memref<72x256xf32, #tpu.memory_space<vmem>>
    %dma_start3A_11 = arith.constant 0 : i32
    %dma_start3A_12 = tpu.memref_slice %arg5[%dma_start3A, %dma_start3A_11] : memref<2x72xi32, #tpu.memory_space<vmem>> -> memref<1x72xi32, #tpu.memory_space<vmem>>
    %dma_start3A_13 = tpu.memref_squeeze %dma_start3A_12 : memref<1x72xi32, #tpu.memory_space<vmem>> -> memref<72xi32, #tpu.memory_space<vmem>>
    %dma_start3A_14 = arith.constant 0 : i32
    %dma_start3A_15 = arith.constant 0 : i32
    %dma_start3A_16 = tpu.memref_slice %arg2[%dma_start3A_14, %dma_start3A_15] : memref<8192x256xf32, #tpu.memory_space<hbm>> -> memref<8192x256xf32, #tpu.memory_space<hbm>>
    tpu.enqueue_indirect_dma source(%dma_start3A_16 : memref<8192x256xf32, #tpu.memory_space<hbm>>) target(%dma_start3A_10 : memref<72x256xf32, #tpu.memory_space<vmem>>) offsets(%dma_start3A_13 : memref<72xi32, #tpu.memory_space<vmem>>) semaphore(%arg7 : memref<!tpu.dma_semaphore, #tpu.memory_space<semaphore_mem>>)
    %dma_start3A_17 = arith.constant 1 : i32
    %dma_start3A_18 = arith.constant 72 : i32
    %dma_start3A_19 = arith.constant 0 : i32
    %dma_start3A_20 = tpu.memref_slice %arg6[%dma_start3A_18, %dma_start3A_19] : memref<144x256xf32, #tpu.memory_space<vmem>> -> memref<72x256xf32, #tpu.memory_space<vmem>>
    %dma_start3A_21 = arith.constant 0 : i32
    %dma_start3A_22 = tpu.memref_slice %arg5[%dma_start3A_17, %dma_start3A_21] : memref<2x72xi32, #tpu.memory_space<vmem>> -> memref<1x72xi32, #tpu.memory_space<vmem>>
    %dma_start3A_23 = tpu.memref_squeeze %dma_start3A_22 : memref<1x72xi32, #tpu.memory_space<vmem>> -> memref<72xi32, #tpu.memory_space<vmem>>
    %dma_start3A_24 = arith.constant 0 : i32
    %dma_start3A_25 = arith.constant 0 : i32
    %dma_start3A_26 = tpu.memref_slice %arg2[%dma_start3A_24, %dma_start3A_25] : memref<8192x256xf32, #tpu.memory_space<hbm>> -> memref<8192x256xf32, #tpu.memory_space<hbm>>
    tpu.enqueue_indirect_dma source(%dma_start3A_26 : memref<8192x256xf32, #tpu.memory_space<hbm>>) target(%dma_start3A_20 : memref<72x256xf32, #tpu.memory_space<vmem>>) offsets(%dma_start3A_23 : memref<72xi32, #tpu.memory_space<vmem>>) semaphore(%arg7 : memref<!tpu.dma_semaphore, #tpu.memory_space<semaphore_mem>>)
    %dma_wait3A = arith.constant 0 : i32
    %dma_wait3A_27 = arith.constant 0 : i32
    %dma_wait3A_28 = arith.constant 0 : i32
    %dma_wait3A_29 = tpu.memref_slice %arg6[%dma_wait3A_27, %dma_wait3A_28] : memref<144x256xf32, #tpu.memory_space<vmem>> -> memref<72x256xf32, #tpu.memory_space<vmem>>
    %dma_wait3A_30 = arith.constant 0 : i32
    %dma_wait3A_31 = tpu.memref_slice %arg5[%dma_wait3A, %dma_wait3A_30] : memref<2x72xi32, #tpu.memory_space<vmem>> -> memref<1x72xi32, #tpu.memory_space<vmem>>
    %dma_wait3A_32 = tpu.memref_squeeze %dma_wait3A_31 : memref<1x72xi32, #tpu.memory_space<vmem>> -> memref<72xi32, #tpu.memory_space<vmem>>
    %dma_wait3A_33 = arith.constant 0 : i32
    %dma_wait3A_34 = arith.constant 0 : i32
    %dma_wait3A_35 = tpu.memref_slice %arg2[%dma_wait3A_33, %dma_wait3A_34] : memref<8192x256xf32, #tpu.memory_space<hbm>> -> memref<8192x256xf32, #tpu.memory_space<hbm>>
    tpu.wait_indirect_dma semaphore(%arg7 : memref<!tpu.dma_semaphore, #tpu.memory_space<semaphore_mem>>) src(%dma_wait3A_35 : memref<8192x256xf32, #tpu.memory_space<hbm>>) dst(%dma_wait3A_29 : memref<72x256xf32, #tpu.memory_space<vmem>>)
    %dma_wait3A_36 = arith.constant 1 : i32
    %dma_wait3A_37 = arith.constant 72 : i32
    %dma_wait3A_38 = arith.constant 0 : i32
    %dma_wait3A_39 = tpu.memref_slice %arg6[%dma_wait3A_37, %dma_wait3A_38] : memref<144x256xf32, #tpu.memory_space<vmem>> -> memref<72x256xf32, #tpu.memory_space<vmem>>
    %dma_wait3A_40 = arith.constant 0 : i32
    %dma_wait3A_41 = tpu.memref_slice %arg5[%dma_wait3A_36, %dma_wait3A_40] : memref<2x72xi32, #tpu.memory_space<vmem>> -> memref<1x72xi32, #tpu.memory_space<vmem>>
    %dma_wait3A_42 = tpu.memref_squeeze %dma_wait3A_41 : memref<1x72xi32, #tpu.memory_space<vmem>> -> memref<72xi32, #tpu.memory_space<vmem>>
    %dma_wait3A_43 = arith.constant 0 : i32
    %dma_wait3A_44 = arith.constant 0 : i32
    %dma_wait3A_45 = tpu.memref_slice %arg2[%dma_wait3A_43, %dma_wait3A_44] : memref<8192x256xf32, #tpu.memory_space<hbm>> -> memref<8192x256xf32, #tpu.memory_space<hbm>>
    tpu.wait_indirect_dma semaphore(%arg7 : memref<!tpu.dma_semaphore, #tpu.memory_space<semaphore_mem>>) src(%dma_wait3A_45 : memref<8192x256xf32, #tpu.memory_space<hbm>>) dst(%dma_wait3A_39 : memref<72x256xf32, #tpu.memory_space<vmem>>)
    "tpu.region"() ({
      %run_scoped3A_46 = tpu.sem_alloc : memref<!tpu.dma_semaphore, #tpu.memory_space<semaphore_mem>>
      %dma_start3A_47 = arith.constant 0 : i32
      %dma_start3A_48 = tpu.memref_slice %arg4[%mul3A_2, %dma_start3A_47] : memref<4608x256xf32, #tpu.memory_space<hbm>> -> memref<144x256xf32, #tpu.memory_space<hbm>>
      %dma_start3A_49 = arith.constant 0 : i32
      %dma_start3A_50 = tpu.memref_slice %arg4[%mul3A_2, %dma_start3A_49] : memref<4608x256xf32, #tpu.memory_space<hbm>> -> memref<144x256xf32, #tpu.memory_space<hbm>>
      tpu.enqueue_dma source(%arg6 : memref<144x256xf32, #tpu.memory_space<vmem>>) target(%dma_start3A_50 : memref<144x256xf32, #tpu.memory_space<hbm>>) target_semaphore(%run_scoped3A_46 : memref<!tpu.dma_semaphore, #tpu.memory_space<semaphore_mem>>)
      %dma_wait3A_51 = arith.constant 0 : i32
      %dma_wait3A_52 = tpu.memref_slice %arg4[%mul3A_2, %dma_wait3A_51] : memref<4608x256xf32, #tpu.memory_space<hbm>> -> memref<144x256xf32, #tpu.memory_space<hbm>>
      %dma_wait3A_53 = arith.constant 0 : i32
      %dma_wait3A_54 = tpu.memref_slice %arg4[%mul3A_2, %dma_wait3A_53] : memref<4608x256xf32, #tpu.memory_space<hbm>> -> memref<144x256xf32, #tpu.memory_space<hbm>>
      tpu.wait_dma2 semaphore(%run_scoped3A_46 : memref<!tpu.dma_semaphore, #tpu.memory_space<semaphore_mem>>) src(%arg6 : memref<144x256xf32, #tpu.memory_space<vmem>>) dst(%dma_wait3A_54 : memref<144x256xf32, #tpu.memory_space<hbm>>)
      tpu.yield
    }) : () -> ()
    return
  }
}

module attributes {stable_mosaic.version = 14 : i64} {
  func.func @_dist_body(%arg0: i32, %arg1: memref<1x768x576xf32, #tpu.memory_space<vmem>>, %arg2: memref<256x768xf32, #tpu.memory_space<vmem>>, %arg3: memref<1x256xf32, #tpu.memory_space<vmem>>, %arg4: memref<8192x256xf32, #tpu.memory_space<vmem>>, %arg5: memref<1x1x576xi32, #tpu.memory_space<vmem>>, %arg6: memref<1x1x576xf32, #tpu.memory_space<vmem>>, %arg7: memref<8192xf32, #tpu.memory_space<vmem>>, %arg8: memref<8192x256xf32, #tpu.memory_space<vmem>>) attributes {dimension_semantics = [#tpu.dimension_semantics<arbitrary>], iteration_bounds = array<i64: 8>, scalar_prefetch = 0 : i64, scratch_operands = 2 : i64, tpu.core_type = #tpu.core_type<tc>, window_params = [{transform_indices = @transform_0, window_bounds = array<i64: 1, 768, 576>}, {pipeline_mode = #tpu.pipeline_mode<synchronous>, transform_indices = @transform_1, window_bounds = array<i64: 256, 768>}, {pipeline_mode = #tpu.pipeline_mode<synchronous>, transform_indices = @transform_2, window_bounds = array<i64: 1, 256>}, {pipeline_mode = #tpu.pipeline_mode<synchronous>, transform_indices = @transform_3, window_bounds = array<i64: 8192, 256>}, {transform_indices = @transform_4, window_bounds = array<i64: 1, 1, 576>}, {transform_indices = @transform_5, window_bounds = array<i64: 1, 1, 576>}]} {
    %eq3A = arith.constant 0 : i32
    %eq3A_0 = arith.cmpi eq, %arg0, %eq3A : i32
    %convert_element_type3A = arith.extui %eq3A_0 : i1 to i32
    %cond3A = arith.constant 0 : i32
    %cond3A_1 = arith.cmpi ne, %convert_element_type3A, %cond3A : i32
    scf.if %cond3A_1 {
      %scan3A_43 = arith.constant 0 : i32
      %scan3A_44 = arith.constant 8 : i32
      %scan3A_45 = arith.addi %scan3A_43, %scan3A_44 : i32
      %scan3A_46 = arith.constant 1 : i32
      scf.for %scan3A_48 = %scan3A_43 to %scan3A_45 step %scan3A_46  : i32 {
        %mul3A_49 = arith.constant 1024 : i32
        %mul3A_50 = arith.muli %scan3A_48, %mul3A_49 : i32
        %get3A_51 = arith.index_cast %mul3A_50 : i32 to index
        %get3A_52 = arith.constant 0 : index
        %get3A_53 = vector.load %arg4[%get3A_51, %get3A_52] : memref<8192x256xf32, #tpu.memory_space<vmem>>, vector<1024x256xf32>
        %mul3A_54 = arith.constant -2.000000e+00 : f32
        %mul3A_55 = vector.broadcast %mul3A_54 : f32 to vector<1024x256xf32>
        %mul3A_56 = arith.mulf %get3A_53, %mul3A_55 : vector<1024x256xf32>
        %mul3A_57 = arith.constant 1024 : i32
        %mul3A_58 = arith.muli %scan3A_48, %mul3A_57 : i32
        %swap3A_59 = arith.index_cast %mul3A_58 : i32 to index
        %swap3A_60 = arith.constant 0 : index
        %swap3A_61 = vector.load %arg8[%swap3A_59, %swap3A_60] : memref<8192x256xf32, #tpu.memory_space<vmem>>, vector<1024x256xf32>
        tpu.vector_store %arg8[%swap3A_59, %swap3A_60], %mul3A_56 {strides = array<i32>} : memref<8192x256xf32, #tpu.memory_space<vmem>>, vector<1024x256xf32>,
        %mul3A_62 = arith.mulf %get3A_53, %get3A_53 : vector<1024x256xf32>
        %reduce_sum3A_63 = arith.constant dense<0.000000e+00> : vector<1024xf32>
        %reduce_sum3A_64 = vector.multi_reduction <add>, %mul3A_62, %reduce_sum3A_63 [1] : vector<1024x256xf32> to vector<1024xf32>
        %mul3A_65 = arith.constant 1024 : i32
        %mul3A_66 = arith.muli %scan3A_48, %mul3A_65 : i32
        %swap3A_67 = arith.index_cast %mul3A_66 : i32 to index
        %swap3A_68 = vector.load %arg7[%swap3A_67] : memref<8192xf32, #tpu.memory_space<vmem>>, vector<1024xf32>
        tpu.vector_store %arg7[%swap3A_67], %reduce_sum3A_64 {strides = array<i32>} : memref<8192xf32, #tpu.memory_space<vmem>>, vector<1024xf32>,
      }
      %scan3A_47 = arith.constant 8 : i32
    } else {
    }
    %get3A = arith.constant 0 : index
    %get3A_2 = arith.constant 0 : index
    %get3A_3 = arith.constant 0 : index
    %get3A_4 = vector.load %arg1[%get3A, %get3A_2, %get3A_3] : memref<1x768x576xf32, #tpu.memory_space<vmem>>, vector<1x768x576xf32>
    %get3A_5 = vector.shape_cast %get3A_4 : vector<1x768x576xf32> to vector<768x576xf32>
    %get3A_6 = arith.constant 0 : index
    %get3A_7 = arith.constant 0 : index
    %get3A_8 = vector.load %arg2[%get3A_6, %get3A_7] : memref<256x768xf32, #tpu.memory_space<vmem>>, vector<256x768xf32>
    %dot_general3A = arith.constant dense<0.000000e+00> : vector<576x256xf32>
    %dot_general3A_9 = tpu.matmul %get3A_5, %get3A_8, %dot_general3A {dimension_numbers = #tpu.dot_dimension_numbers<[0], [1], [1], [0], [0, 1, 1, 0], [], []>, transpose_lhs_hint = false} : vector<768x576xf32>, vector<256x768xf32>, vector<576x256xf32> -> vector<576x256xf32>
    %get3A_10 = arith.constant 0 : index
    %get3A_11 = arith.constant 0 : index
    %get3A_12 = vector.load %arg3[%get3A_10, %get3A_11] : memref<1x256xf32, #tpu.memory_space<vmem>>, vector<1x256xf32>
    %add3A = vector.broadcast %get3A_12 : vector<1x256xf32> to vector<576x256xf32>
    %add3A_13 = arith.addf %dot_general3A_9, %add3A : vector<576x256xf32>
    %mul3A = arith.mulf %add3A_13, %add3A_13 : vector<576x256xf32>
    %reduce_sum3A = arith.constant dense<0.000000e+00> : vector<576xf32>
    %reduce_sum3A_14 = vector.multi_reduction <add>, %mul3A, %reduce_sum3A [1] : vector<576x256xf32> to vector<576xf32>
    %broadcast_in_dim3A = vector.shape_cast %reduce_sum3A_14 : vector<576xf32> to vector<576x1xf32>
    %broadcast_in_dim3A_15 = arith.constant 0x7F800000 : f32
    %broadcast_in_dim3A_16 = vector.broadcast %broadcast_in_dim3A_15 : f32 to vector<576x128xf32>
    %broadcast_in_dim3A_17 = arith.constant 0 : i32
    %broadcast_in_dim3A_18 = vector.broadcast %broadcast_in_dim3A_17 : i32 to vector<576x128xi32>
    %scan3A = arith.constant 0 : i32
    %scan3A_19 = arith.constant 8 : i32
    %scan3A_20 = arith.addi %scan3A, %scan3A_19 : i32
    %scan3A_21 = arith.constant 4 : i32
    %scan3A_22:2 = scf.for %scan3A_43 = %scan3A to %scan3A_20 step %scan3A_21 iter_args(%scan3A_44 = %broadcast_in_dim3A_16, %scan3A_45 = %broadcast_in_dim3A_18) -> (vector<576x128xf32>, vector<576x128xi32>)  : i32 {
      %mul3A_46 = arith.constant 1024 : i32
      %mul3A_47 = arith.muli %scan3A_43, %mul3A_46 : i32
      %get3A_48 = arith.index_cast %mul3A_47 : i32 to index
      %get3A_49 = arith.constant 0 : index
      %get3A_50 = vector.load %arg8[%get3A_48, %get3A_49] : memref<8192x256xf32, #tpu.memory_space<vmem>>, vector<1024x256xf32>
      %dot_general3A_51 = arith.constant dense<0.000000e+00> : vector<576x1024xf32>
      %dot_general3A_52 = tpu.matmul %add3A_13, %get3A_50, %dot_general3A_51 {dimension_numbers = #tpu.dot_dimension_numbers<[1], [1], [0], [0], [0, 0, 1, 0], [], []>, transpose_lhs_hint = false} : vector<576x256xf32>, vector<1024x256xf32>, vector<576x1024xf32> -> vector<576x1024xf32>
      %mul3A_53 = arith.constant 1024 : i32
      %mul3A_54 = arith.muli %scan3A_43, %mul3A_53 : i32
      %get3A_55 = arith.index_cast %mul3A_54 : i32 to index
      %get3A_56 = vector.load %arg7[%get3A_55] : memref<8192xf32, #tpu.memory_space<vmem>>, vector<1024xf32>
      %slice3A = vector.extract_strided_slice %get3A_56 {offsets = [0], sizes = [128], strides = [1]} : vector<1024xf32> to vector<128xf32>
      %broadcast_in_dim3A_57 = vector.shape_cast %slice3A : vector<128xf32> to vector<1x128xf32>
      %add3A_58 = vector.broadcast %broadcast_in_dim3A : vector<576x1xf32> to vector<576x128xf32>
      %add3A_59 = vector.broadcast %broadcast_in_dim3A_57 : vector<1x128xf32> to vector<576x128xf32>
      %add3A_60 = arith.addf %add3A_58, %add3A_59 : vector<576x128xf32>
      %slice3A_61 = vector.extract_strided_slice %dot_general3A_52 {offsets = [0, 0], sizes = [576, 128], strides = [1, 1]} : vector<576x1024xf32> to vector<576x128xf32>
      %add3A_62 = arith.addf %add3A_60, %slice3A_61 : vector<576x128xf32>
      %lt3A = arith.cmpf olt, %add3A_62, %scan3A_44 : vector<576x128xf32>
      %select_n3A_63 = arith.select %lt3A, %add3A_62, %scan3A_44 : vector<576x128xi1>, vector<576x128xf32>
      %mul3A_64 = arith.constant 1024 : i32
      %mul3A_65 = arith.muli %scan3A_43, %mul3A_64 : i32
      %add3A_66 = arith.constant 0 : i32
      %add3A_67 = arith.addi %mul3A_65, %add3A_66 : i32
      %broadcast_in_dim3A_68 = vector.broadcast %add3A_67 : i32 to vector<576x128xi32>
      %select_n3A_69 = arith.select %lt3A, %broadcast_in_dim3A_68, %scan3A_45 : vector<576x128xi1>, vector<576x128xi32>
      %slice3A_70 = vector.extract_strided_slice %get3A_56 {offsets = [128], sizes = [128], strides = [1]} : vector<1024xf32> to vector<128xf32>
      %broadcast_in_dim3A_71 = vector.shape_cast %slice3A_70 : vector<128xf32> to vector<1x128xf32>
      %add3A_72 = vector.broadcast %broadcast_in_dim3A : vector<576x1xf32> to vector<576x128xf32>
      %add3A_73 = vector.broadcast %broadcast_in_dim3A_71 : vector<1x128xf32> to vector<576x128xf32>
      %add3A_74 = arith.addf %add3A_72, %add3A_73 : vector<576x128xf32>
      %slice3A_75 = vector.extract_strided_slice %dot_general3A_52 {offsets = [0, 128], sizes = [576, 128], strides = [1, 1]} : vector<576x1024xf32> to vector<576x128xf32>
      %add3A_76 = arith.addf %add3A_74, %slice3A_75 : vector<576x128xf32>
      %lt3A_77 = arith.cmpf olt, %add3A_76, %select_n3A_63 : vector<576x128xf32>
      %select_n3A_78 = arith.select %lt3A_77, %add3A_76, %select_n3A_63 : vector<576x128xi1>, vector<576x128xf32>
      %mul3A_79 = arith.constant 1024 : i32
      %mul3A_80 = arith.muli %scan3A_43, %mul3A_79 : i32
      %add3A_81 = arith.constant 128 : i32
      %add3A_82 = arith.addi %mul3A_80, %add3A_81 : i32
      %broadcast_in_dim3A_83 = vector.broadcast %add3A_82 : i32 to vector<576x128xi32>
      %select_n3A_84 = arith.select %lt3A_77, %broadcast_in_dim3A_83, %select_n3A_69 : vector<576x128xi1>, vector<576x128xi32>
      %slice3A_85 = vector.extract_strided_slice %get3A_56 {offsets = [256], sizes = [128], strides = [1]} : vector<1024xf32> to vector<128xf32>
      %broadcast_in_dim3A_86 = vector.shape_cast %slice3A_85 : vector<128xf32> to vector<1x128xf32>
      %add3A_87 = vector.broadcast %broadcast_in_dim3A : vector<576x1xf32> to vector<576x128xf32>
      %add3A_88 = vector.broadcast %broadcast_in_dim3A_86 : vector<1x128xf32> to vector<576x128xf32>
      %add3A_89 = arith.addf %add3A_87, %add3A_88 : vector<576x128xf32>
      %slice3A_90 = vector.extract_strided_slice %dot_general3A_52 {offsets = [0, 256], sizes = [576, 128], strides = [1, 1]} : vector<576x1024xf32> to vector<576x128xf32>
      %add3A_91 = arith.addf %add3A_89, %slice3A_90 : vector<576x128xf32>
      %lt3A_92 = arith.cmpf olt, %add3A_91, %select_n3A_78 : vector<576x128xf32>
      %select_n3A_93 = arith.select %lt3A_92, %add3A_91, %select_n3A_78 : vector<576x128xi1>, vector<576x128xf32>
      %mul3A_94 = arith.constant 1024 : i32
      %mul3A_95 = arith.muli %scan3A_43, %mul3A_94 : i32
      %add3A_96 = arith.constant 256 : i32
      %add3A_97 = arith.addi %mul3A_95, %add3A_96 : i32
      %broadcast_in_dim3A_98 = vector.broadcast %add3A_97 : i32 to vector<576x128xi32>
      %select_n3A_99 = arith.select %lt3A_92, %broadcast_in_dim3A_98, %select_n3A_84 : vector<576x128xi1>, vector<576x128xi32>
      %slice3A_100 = vector.extract_strided_slice %get3A_56 {offsets = [384], sizes = [128], strides = [1]} : vector<1024xf32> to vector<128xf32>
      %broadcast_in_dim3A_101 = vector.shape_cast %slice3A_100 : vector<128xf32> to vector<1x128xf32>
      %add3A_102 = vector.broadcast %broadcast_in_dim3A : vector<576x1xf32> to vector<576x128xf32>
      %add3A_103 = vector.broadcast %broadcast_in_dim3A_101 : vector<1x128xf32> to vector<576x128xf32>
      %add3A_104 = arith.addf %add3A_102, %add3A_103 : vector<576x128xf32>
      %slice3A_105 = vector.extract_strided_slice %dot_general3A_52 {offsets = [0, 384], sizes = [576, 128], strides = [1, 1]} : vector<576x1024xf32> to vector<576x128xf32>
      %add3A_106 = arith.addf %add3A_104, %slice3A_105 : vector<576x128xf32>
      %lt3A_107 = arith.cmpf olt, %add3A_106, %select_n3A_93 : vector<576x128xf32>
      %select_n3A_108 = arith.select %lt3A_107, %add3A_106, %select_n3A_93 : vector<576x128xi1>, vector<576x128xf32>
      %mul3A_109 = arith.constant 1024 : i32
      %mul3A_110 = arith.muli %scan3A_43, %mul3A_109 : i32
      %add3A_111 = arith.constant 384 : i32
      %add3A_112 = arith.addi %mul3A_110, %add3A_111 : i32
      %broadcast_in_dim3A_113 = vector.broadcast %add3A_112 : i32 to vector<576x128xi32>
      %select_n3A_114 = arith.select %lt3A_107, %broadcast_in_dim3A_113, %select_n3A_99 : vector<576x128xi1>, vector<576x128xi32>
      %slice3A_115 = vector.extract_strided_slice %get3A_56 {offsets = [512], sizes = [128], strides = [1]} : vector<1024xf32> to vector<128xf32>
      %broadcast_in_dim3A_116 = vector.shape_cast %slice3A_115 : vector<128xf32> to vector<1x128xf32>
      %add3A_117 = vector.broadcast %broadcast_in_dim3A : vector<576x1xf32> to vector<576x128xf32>
      %add3A_118 = vector.broadcast %broadcast_in_dim3A_116 : vector<1x128xf32> to vector<576x128xf32>
      %add3A_119 = arith.addf %add3A_117, %add3A_118 : vector<576x128xf32>
      %slice3A_120 = vector.extract_strided_slice %dot_general3A_52 {offsets = [0, 512], sizes = [576, 128], strides = [1, 1]} : vector<576x1024xf32> to vector<576x128xf32>
      %add3A_121 = arith.addf %add3A_119, %slice3A_120 : vector<576x128xf32>
      %lt3A_122 = arith.cmpf olt, %add3A_121, %select_n3A_108 : vector<576x128xf32>
      %select_n3A_123 = arith.select %lt3A_122, %add3A_121, %select_n3A_108 : vector<576x128xi1>, vector<576x128xf32>
      %mul3A_124 = arith.constant 1024 : i32
      %mul3A_125 = arith.muli %scan3A_43, %mul3A_124 : i32
      %add3A_126 = arith.constant 512 : i32
      %add3A_127 = arith.addi %mul3A_125, %add3A_126 : i32
      %broadcast_in_dim3A_128 = vector.broadcast %add3A_127 : i32 to vector<576x128xi32>
      %select_n3A_129 = arith.select %lt3A_122, %broadcast_in_dim3A_128, %select_n3A_114 : vector<576x128xi1>, vector<576x128xi32>
      %slice3A_130 = vector.extract_strided_slice %get3A_56 {offsets = [640], sizes = [128], strides = [1]} : vector<1024xf32> to vector<128xf32>
      %broadcast_in_dim3A_131 = vector.shape_cast %slice3A_130 : vector<128xf32> to vector<1x128xf32>
      %add3A_132 = vector.broadcast %broadcast_in_dim3A : vector<576x1xf32> to vector<576x128xf32>
      %add3A_133 = vector.broadcast %broadcast_in_dim3A_131 : vector<1x128xf32> to vector<576x128xf32>
      %add3A_134 = arith.addf %add3A_132, %add3A_133 : vector<576x128xf32>
      %slice3A_135 = vector.extract_strided_slice %dot_general3A_52 {offsets = [0, 640], sizes = [576, 128], strides = [1, 1]} : vector<576x1024xf32> to vector<576x128xf32>
      %add3A_136 = arith.addf %add3A_134, %slice3A_135 : vector<576x128xf32>
      %lt3A_137 = arith.cmpf olt, %add3A_136, %select_n3A_123 : vector<576x128xf32>
      %select_n3A_138 = arith.select %lt3A_137, %add3A_136, %select_n3A_123 : vector<576x128xi1>, vector<576x128xf32>
      %mul3A_139 = arith.constant 1024 : i32
      %mul3A_140 = arith.muli %scan3A_43, %mul3A_139 : i32
      %add3A_141 = arith.constant 640 : i32
      %add3A_142 = arith.addi %mul3A_140, %add3A_141 : i32
      %broadcast_in_dim3A_143 = vector.broadcast %add3A_142 : i32 to vector<576x128xi32>
      %select_n3A_144 = arith.select %lt3A_137, %broadcast_in_dim3A_143, %select_n3A_129 : vector<576x128xi1>, vector<576x128xi32>
      %slice3A_145 = vector.extract_strided_slice %get3A_56 {offsets = [768], sizes = [128], strides = [1]} : vector<1024xf32> to vector<128xf32>
      %broadcast_in_dim3A_146 = vector.shape_cast %slice3A_145 : vector<128xf32> to vector<1x128xf32>
      %add3A_147 = vector.broadcast %broadcast_in_dim3A : vector<576x1xf32> to vector<576x128xf32>
      %add3A_148 = vector.broadcast %broadcast_in_dim3A_146 : vector<1x128xf32> to vector<576x128xf32>
      %add3A_149 = arith.addf %add3A_147, %add3A_148 : vector<576x128xf32>
      %slice3A_150 = vector.extract_strided_slice %dot_general3A_52 {offsets = [0, 768], sizes = [576, 128], strides = [1, 1]} : vector<576x1024xf32> to vector<576x128xf32>
      %add3A_151 = arith.addf %add3A_149, %slice3A_150 : vector<576x128xf32>
      %lt3A_152 = arith.cmpf olt, %add3A_151, %select_n3A_138 : vector<576x128xf32>
      %select_n3A_153 = arith.select %lt3A_152, %add3A_151, %select_n3A_138 : vector<576x128xi1>, vector<576x128xf32>
      %mul3A_154 = arith.constant 1024 : i32
      %mul3A_155 = arith.muli %scan3A_43, %mul3A_154 : i32
      %add3A_156 = arith.constant 768 : i32
      %add3A_157 = arith.addi %mul3A_155, %add3A_156 : i32
      %broadcast_in_dim3A_158 = vector.broadcast %add3A_157 : i32 to vector<576x128xi32>
      %select_n3A_159 = arith.select %lt3A_152, %broadcast_in_dim3A_158, %select_n3A_144 : vector<576x128xi1>, vector<576x128xi32>
      %slice3A_160 = vector.extract_strided_slice %get3A_56 {offsets = [896], sizes = [128], strides = [1]} : vector<1024xf32> to vector<128xf32>
      %broadcast_in_dim3A_161 = vector.shape_cast %slice3A_160 : vector<128xf32> to vector<1x128xf32>
      %add3A_162 = vector.broadcast %broadcast_in_dim3A : vector<576x1xf32> to vector<576x128xf32>
      %add3A_163 = vector.broadcast %broadcast_in_dim3A_161 : vector<1x128xf32> to vector<576x128xf32>
      %add3A_164 = arith.addf %add3A_162, %add3A_163 : vector<576x128xf32>
      %slice3A_165 = vector.extract_strided_slice %dot_general3A_52 {offsets = [0, 896], sizes = [576, 128], strides = [1, 1]} : vector<576x1024xf32> to vector<576x128xf32>
      %add3A_166 = arith.addf %add3A_164, %slice3A_165 : vector<576x128xf32>
      %lt3A_167 = arith.cmpf olt, %add3A_166, %select_n3A_153 : vector<576x128xf32>
      %select_n3A_168 = arith.select %lt3A_167, %add3A_166, %select_n3A_153 : vector<576x128xi1>, vector<576x128xf32>
      %mul3A_169 = arith.constant 1024 : i32
      %mul3A_170 = arith.muli %scan3A_43, %mul3A_169 : i32
      %add3A_171 = arith.constant 896 : i32
      %add3A_172 = arith.addi %mul3A_170, %add3A_171 : i32
      %broadcast_in_dim3A_173 = vector.broadcast %add3A_172 : i32 to vector<576x128xi32>
      %select_n3A_174 = arith.select %lt3A_167, %broadcast_in_dim3A_173, %select_n3A_159 : vector<576x128xi1>, vector<576x128xi32>
      %scan3A_175 = arith.constant 1 : i32
      %scan3A_176 = arith.addi %scan3A_43, %scan3A_175 : i32
      %mul3A_177 = arith.constant 1024 : i32
      %mul3A_178 = arith.muli %scan3A_176, %mul3A_177 : i32
      %get3A_179 = arith.index_cast %mul3A_178 : i32 to index
      %get3A_180 = arith.constant 0 : index
      %get3A_181 = vector.load %arg8[%get3A_179, %get3A_180] : memref<8192x256xf32, #tpu.memory_space<vmem>>, vector<1024x256xf32>
      %dot_general3A_182 = arith.constant dense<0.000000e+00> : vector<576x1024xf32>
      %dot_general3A_183 = tpu.matmul %add3A_13, %get3A_181, %dot_general3A_182 {dimension_numbers = #tpu.dot_dimension_numbers<[1], [1], [0], [0], [0, 0, 1, 0], [], []>, transpose_lhs_hint = false} : vector<576x256xf32>, vector<1024x256xf32>, vector<576x1024xf32> -> vector<576x1024xf32>
      %mul3A_184 = arith.constant 1024 : i32
      %mul3A_185 = arith.muli %scan3A_176, %mul3A_184 : i32
      %get3A_186 = arith.index_cast %mul3A_185 : i32 to index
      %get3A_187 = vector.load %arg7[%get3A_186] : memref<8192xf32, #tpu.memory_space<vmem>>, vector<1024xf32>
      %slice3A_188 = vector.extract_strided_slice %get3A_187 {offsets = [0], sizes = [128], strides = [1]} : vector<1024xf32> to vector<128xf32>
      %broadcast_in_dim3A_189 = vector.shape_cast %slice3A_188 : vector<128xf32> to vector<1x128xf32>
      %add3A_190 = vector.broadcast %broadcast_in_dim3A : vector<576x1xf32> to vector<576x128xf32>
      %add3A_191 = vector.broadcast %broadcast_in_dim3A_189 : vector<1x128xf32> to vector<576x128xf32>
      %add3A_192 = arith.addf %add3A_190, %add3A_191 : vector<576x128xf32>
      %slice3A_193 = vector.extract_strided_slice %dot_general3A_183 {offsets = [0, 0], sizes = [576, 128], strides = [1, 1]} : vector<576x1024xf32> to vector<576x128xf32>
      %add3A_194 = arith.addf %add3A_192, %slice3A_193 : vector<576x128xf32>
      %lt3A_195 = arith.cmpf olt, %add3A_194, %select_n3A_168 : vector<576x128xf32>
      %select_n3A_196 = arith.select %lt3A_195, %add3A_194, %select_n3A_168 : vector<576x128xi1>, vector<576x128xf32>
      %mul3A_197 = arith.constant 1024 : i32
      %mul3A_198 = arith.muli %scan3A_176, %mul3A_197 : i32
      %add3A_199 = arith.constant 0 : i32
      %add3A_200 = arith.addi %mul3A_198, %add3A_199 : i32
      %broadcast_in_dim3A_201 = vector.broadcast %add3A_200 : i32 to vector<576x128xi32>
      %select_n3A_202 = arith.select %lt3A_195, %broadcast_in_dim3A_201, %select_n3A_174 : vector<576x128xi1>, vector<576x128xi32>
      %slice3A_203 = vector.extract_strided_slice %get3A_187 {offsets = [128], sizes = [128], strides = [1]} : vector<1024xf32> to vector<128xf32>
      %broadcast_in_dim3A_204 = vector.shape_cast %slice3A_203 : vector<128xf32> to vector<1x128xf32>
      %add3A_205 = vector.broadcast %broadcast_in_dim3A : vector<576x1xf32> to vector<576x128xf32>
      %add3A_206 = vector.broadcast %broadcast_in_dim3A_204 : vector<1x128xf32> to vector<576x128xf32>
      %add3A_207 = arith.addf %add3A_205, %add3A_206 : vector<576x128xf32>
      %slice3A_208 = vector.extract_strided_slice %dot_general3A_183 {offsets = [0, 128], sizes = [576, 128], strides = [1, 1]} : vector<576x1024xf32> to vector<576x128xf32>
      %add3A_209 = arith.addf %add3A_207, %slice3A_208 : vector<576x128xf32>
      %lt3A_210 = arith.cmpf olt, %add3A_209, %select_n3A_196 : vector<576x128xf32>
      %select_n3A_211 = arith.select %lt3A_210, %add3A_209, %select_n3A_196 : vector<576x128xi1>, vector<576x128xf32>
      %mul3A_212 = arith.constant 1024 : i32
      %mul3A_213 = arith.muli %scan3A_176, %mul3A_212 : i32
      %add3A_214 = arith.constant 128 : i32
      %add3A_215 = arith.addi %mul3A_213, %add3A_214 : i32
      %broadcast_in_dim3A_216 = vector.broadcast %add3A_215 : i32 to vector<576x128xi32>
      %select_n3A_217 = arith.select %lt3A_210, %broadcast_in_dim3A_216, %select_n3A_202 : vector<576x128xi1>, vector<576x128xi32>
      %slice3A_218 = vector.extract_strided_slice %get3A_187 {offsets = [256], sizes = [128], strides = [1]} : vector<1024xf32> to vector<128xf32>
      %broadcast_in_dim3A_219 = vector.shape_cast %slice3A_218 : vector<128xf32> to vector<1x128xf32>
      %add3A_220 = vector.broadcast %broadcast_in_dim3A : vector<576x1xf32> to vector<576x128xf32>
      %add3A_221 = vector.broadcast %broadcast_in_dim3A_219 : vector<1x128xf32> to vector<576x128xf32>
      %add3A_222 = arith.addf %add3A_220, %add3A_221 : vector<576x128xf32>
      %slice3A_223 = vector.extract_strided_slice %dot_general3A_183 {offsets = [0, 256], sizes = [576, 128], strides = [1, 1]} : vector<576x1024xf32> to vector<576x128xf32>
      %add3A_224 = arith.addf %add3A_222, %slice3A_223 : vector<576x128xf32>
      %lt3A_225 = arith.cmpf olt, %add3A_224, %select_n3A_211 : vector<576x128xf32>
      %select_n3A_226 = arith.select %lt3A_225, %add3A_224, %select_n3A_211 : vector<576x128xi1>, vector<576x128xf32>
      %mul3A_227 = arith.constant 1024 : i32
      %mul3A_228 = arith.muli %scan3A_176, %mul3A_227 : i32
      %add3A_229 = arith.constant 256 : i32
      %add3A_230 = arith.addi %mul3A_228, %add3A_229 : i32
      %broadcast_in_dim3A_231 = vector.broadcast %add3A_230 : i32 to vector<576x128xi32>
      %select_n3A_232 = arith.select %lt3A_225, %broadcast_in_dim3A_231, %select_n3A_217 : vector<576x128xi1>, vector<576x128xi32>
      %slice3A_233 = vector.extract_strided_slice %get3A_187 {offsets = [384], sizes = [128], strides = [1]} : vector<1024xf32> to vector<128xf32>
      %broadcast_in_dim3A_234 = vector.shape_cast %slice3A_233 : vector<128xf32> to vector<1x128xf32>
      %add3A_235 = vector.broadcast %broadcast_in_dim3A : vector<576x1xf32> to vector<576x128xf32>
      %add3A_236 = vector.broadcast %broadcast_in_dim3A_234 : vector<1x128xf32> to vector<576x128xf32>
      %add3A_237 = arith.addf %add3A_235, %add3A_236 : vector<576x128xf32>
      %slice3A_238 = vector.extract_strided_slice %dot_general3A_183 {offsets = [0, 384], sizes = [576, 128], strides = [1, 1]} : vector<576x1024xf32> to vector<576x128xf32>
      %add3A_239 = arith.addf %add3A_237, %slice3A_238 : vector<576x128xf32>
      %lt3A_240 = arith.cmpf olt, %add3A_239, %select_n3A_226 : vector<576x128xf32>
      %select_n3A_241 = arith.select %lt3A_240, %add3A_239, %select_n3A_226 : vector<576x128xi1>, vector<576x128xf32>
      %mul3A_242 = arith.constant 1024 : i32
      %mul3A_243 = arith.muli %scan3A_176, %mul3A_242 : i32
      %add3A_244 = arith.constant 384 : i32
      %add3A_245 = arith.addi %mul3A_243, %add3A_244 : i32
      %broadcast_in_dim3A_246 = vector.broadcast %add3A_245 : i32 to vector<576x128xi32>
      %select_n3A_247 = arith.select %lt3A_240, %broadcast_in_dim3A_246, %select_n3A_232 : vector<576x128xi1>, vector<576x128xi32>
      %slice3A_248 = vector.extract_strided_slice %get3A_187 {offsets = [512], sizes = [128], strides = [1]} : vector<1024xf32> to vector<128xf32>
      %broadcast_in_dim3A_249 = vector.shape_cast %slice3A_248 : vector<128xf32> to vector<1x128xf32>
      %add3A_250 = vector.broadcast %broadcast_in_dim3A : vector<576x1xf32> to vector<576x128xf32>
      %add3A_251 = vector.broadcast %broadcast_in_dim3A_249 : vector<1x128xf32> to vector<576x128xf32>
      %add3A_252 = arith.addf %add3A_250, %add3A_251 : vector<576x128xf32>
      %slice3A_253 = vector.extract_strided_slice %dot_general3A_183 {offsets = [0, 512], sizes = [576, 128], strides = [1, 1]} : vector<576x1024xf32> to vector<576x128xf32>
      %add3A_254 = arith.addf %add3A_252, %slice3A_253 : vector<576x128xf32>
      %lt3A_255 = arith.cmpf olt, %add3A_254, %select_n3A_241 : vector<576x128xf32>
      %select_n3A_256 = arith.select %lt3A_255, %add3A_254, %select_n3A_241 : vector<576x128xi1>, vector<576x128xf32>
      %mul3A_257 = arith.constant 1024 : i32
      %mul3A_258 = arith.muli %scan3A_176, %mul3A_257 : i32
      %add3A_259 = arith.constant 512 : i32
      %add3A_260 = arith.addi %mul3A_258, %add3A_259 : i32
      %broadcast_in_dim3A_261 = vector.broadcast %add3A_260 : i32 to vector<576x128xi32>
      %select_n3A_262 = arith.select %lt3A_255, %broadcast_in_dim3A_261, %select_n3A_247 : vector<576x128xi1>, vector<576x128xi32>
      %slice3A_263 = vector.extract_strided_slice %get3A_187 {offsets = [640], sizes = [128], strides = [1]} : vector<1024xf32> to vector<128xf32>
      %broadcast_in_dim3A_264 = vector.shape_cast %slice3A_263 : vector<128xf32> to vector<1x128xf32>
      %add3A_265 = vector.broadcast %broadcast_in_dim3A : vector<576x1xf32> to vector<576x128xf32>
      %add3A_266 = vector.broadcast %broadcast_in_dim3A_264 : vector<1x128xf32> to vector<576x128xf32>
      %add3A_267 = arith.addf %add3A_265, %add3A_266 : vector<576x128xf32>
      %slice3A_268 = vector.extract_strided_slice %dot_general3A_183 {offsets = [0, 640], sizes = [576, 128], strides = [1, 1]} : vector<576x1024xf32> to vector<576x128xf32>
      %add3A_269 = arith.addf %add3A_267, %slice3A_268 : vector<576x128xf32>
      %lt3A_270 = arith.cmpf olt, %add3A_269, %select_n3A_256 : vector<576x128xf32>
      %select_n3A_271 = arith.select %lt3A_270, %add3A_269, %select_n3A_256 : vector<576x128xi1>, vector<576x128xf32>
      %mul3A_272 = arith.constant 1024 : i32
      %mul3A_273 = arith.muli %scan3A_176, %mul3A_272 : i32
      %add3A_274 = arith.constant 640 : i32
      %add3A_275 = arith.addi %mul3A_273, %add3A_274 : i32
      %broadcast_in_dim3A_276 = vector.broadcast %add3A_275 : i32 to vector<576x128xi32>
      %select_n3A_277 = arith.select %lt3A_270, %broadcast_in_dim3A_276, %select_n3A_262 : vector<576x128xi1>, vector<576x128xi32>
      %slice3A_278 = vector.extract_strided_slice %get3A_187 {offsets = [768], sizes = [128], strides = [1]} : vector<1024xf32> to vector<128xf32>
      %broadcast_in_dim3A_279 = vector.shape_cast %slice3A_278 : vector<128xf32> to vector<1x128xf32>
      %add3A_280 = vector.broadcast %broadcast_in_dim3A : vector<576x1xf32> to vector<576x128xf32>
      %add3A_281 = vector.broadcast %broadcast_in_dim3A_279 : vector<1x128xf32> to vector<576x128xf32>
      %add3A_282 = arith.addf %add3A_280, %add3A_281 : vector<576x128xf32>
      %slice3A_283 = vector.extract_strided_slice %dot_general3A_183 {offsets = [0, 768], sizes = [576, 128], strides = [1, 1]} : vector<576x1024xf32> to vector<576x128xf32>
      %add3A_284 = arith.addf %add3A_282, %slice3A_283 : vector<576x128xf32>
      %lt3A_285 = arith.cmpf olt, %add3A_284, %select_n3A_271 : vector<576x128xf32>
      %select_n3A_286 = arith.select %lt3A_285, %add3A_284, %select_n3A_271 : vector<576x128xi1>, vector<576x128xf32>
      %mul3A_287 = arith.constant 1024 : i32
      %mul3A_288 = arith.muli %scan3A_176, %mul3A_287 : i32
      %add3A_289 = arith.constant 768 : i32
      %add3A_290 = arith.addi %mul3A_288, %add3A_289 : i32
      %broadcast_in_dim3A_291 = vector.broadcast %add3A_290 : i32 to vector<576x128xi32>
      %select_n3A_292 = arith.select %lt3A_285, %broadcast_in_dim3A_291, %select_n3A_277 : vector<576x128xi1>, vector<576x128xi32>
      %slice3A_293 = vector.extract_strided_slice %get3A_187 {offsets = [896], sizes = [128], strides = [1]} : vector<1024xf32> to vector<128xf32>
      %broadcast_in_dim3A_294 = vector.shape_cast %slice3A_293 : vector<128xf32> to vector<1x128xf32>
      %add3A_295 = vector.broadcast %broadcast_in_dim3A : vector<576x1xf32> to vector<576x128xf32>
      %add3A_296 = vector.broadcast %broadcast_in_dim3A_294 : vector<1x128xf32> to vector<576x128xf32>
      %add3A_297 = arith.addf %add3A_295, %add3A_296 : vector<576x128xf32>
      %slice3A_298 = vector.extract_strided_slice %dot_general3A_183 {offsets = [0, 896], sizes = [576, 128], strides = [1, 1]} : vector<576x1024xf32> to vector<576x128xf32>
      %add3A_299 = arith.addf %add3A_297, %slice3A_298 : vector<576x128xf32>
      %lt3A_300 = arith.cmpf olt, %add3A_299, %select_n3A_286 : vector<576x128xf32>
      %select_n3A_301 = arith.select %lt3A_300, %add3A_299, %select_n3A_286 : vector<576x128xi1>, vector<576x128xf32>
      %mul3A_302 = arith.constant 1024 : i32
      %mul3A_303 = arith.muli %scan3A_176, %mul3A_302 : i32
      %add3A_304 = arith.constant 896 : i32
      %add3A_305 = arith.addi %mul3A_303, %add3A_304 : i32
      %broadcast_in_dim3A_306 = vector.broadcast %add3A_305 : i32 to vector<576x128xi32>
      %select_n3A_307 = arith.select %lt3A_300, %broadcast_in_dim3A_306, %select_n3A_292 : vector<576x128xi1>, vector<576x128xi32>
      %scan3A_308 = arith.constant 2 : i32
      %scan3A_309 = arith.addi %scan3A_43, %scan3A_308 : i32
      %mul3A_310 = arith.constant 1024 : i32
      %mul3A_311 = arith.muli %scan3A_309, %mul3A_310 : i32
      %get3A_312 = arith.index_cast %mul3A_311 : i32 to index
      %get3A_313 = arith.constant 0 : index
      %get3A_314 = vector.load %arg8[%get3A_312, %get3A_313] : memref<8192x256xf32, #tpu.memory_space<vmem>>, vector<1024x256xf32>
      %dot_general3A_315 = arith.constant dense<0.000000e+00> : vector<576x1024xf32>
      %dot_general3A_316 = tpu.matmul %add3A_13, %get3A_314, %dot_general3A_315 {dimension_numbers = #tpu.dot_dimension_numbers<[1], [1], [0], [0], [0, 0, 1, 0], [], []>, transpose_lhs_hint = false} : vector<576x256xf32>, vector<1024x256xf32>, vector<576x1024xf32> -> vector<576x1024xf32>
      %mul3A_317 = arith.constant 1024 : i32
      %mul3A_318 = arith.muli %scan3A_309, %mul3A_317 : i32
      %get3A_319 = arith.index_cast %mul3A_318 : i32 to index
      %get3A_320 = vector.load %arg7[%get3A_319] : memref<8192xf32, #tpu.memory_space<vmem>>, vector<1024xf32>
      %slice3A_321 = vector.extract_strided_slice %get3A_320 {offsets = [0], sizes = [128], strides = [1]} : vector<1024xf32> to vector<128xf32>
      %broadcast_in_dim3A_322 = vector.shape_cast %slice3A_321 : vector<128xf32> to vector<1x128xf32>
      %add3A_323 = vector.broadcast %broadcast_in_dim3A : vector<576x1xf32> to vector<576x128xf32>
      %add3A_324 = vector.broadcast %broadcast_in_dim3A_322 : vector<1x128xf32> to vector<576x128xf32>
      %add3A_325 = arith.addf %add3A_323, %add3A_324 : vector<576x128xf32>
      %slice3A_326 = vector.extract_strided_slice %dot_general3A_316 {offsets = [0, 0], sizes = [576, 128], strides = [1, 1]} : vector<576x1024xf32> to vector<576x128xf32>
      %add3A_327 = arith.addf %add3A_325, %slice3A_326 : vector<576x128xf32>
      %lt3A_328 = arith.cmpf olt, %add3A_327, %select_n3A_301 : vector<576x128xf32>
      %select_n3A_329 = arith.select %lt3A_328, %add3A_327, %select_n3A_301 : vector<576x128xi1>, vector<576x128xf32>
      %mul3A_330 = arith.constant 1024 : i32
      %mul3A_331 = arith.muli %scan3A_309, %mul3A_330 : i32
      %add3A_332 = arith.constant 0 : i32
      %add3A_333 = arith.addi %mul3A_331, %add3A_332 : i32
      %broadcast_in_dim3A_334 = vector.broadcast %add3A_333 : i32 to vector<576x128xi32>
      %select_n3A_335 = arith.select %lt3A_328, %broadcast_in_dim3A_334, %select_n3A_307 : vector<576x128xi1>, vector<576x128xi32>
      %slice3A_336 = vector.extract_strided_slice %get3A_320 {offsets = [128], sizes = [128], strides = [1]} : vector<1024xf32> to vector<128xf32>
      %broadcast_in_dim3A_337 = vector.shape_cast %slice3A_336 : vector<128xf32> to vector<1x128xf32>
      %add3A_338 = vector.broadcast %broadcast_in_dim3A : vector<576x1xf32> to vector<576x128xf32>
      %add3A_339 = vector.broadcast %broadcast_in_dim3A_337 : vector<1x128xf32> to vector<576x128xf32>
      %add3A_340 = arith.addf %add3A_338, %add3A_339 : vector<576x128xf32>
      %slice3A_341 = vector.extract_strided_slice %dot_general3A_316 {offsets = [0, 128], sizes = [576, 128], strides = [1, 1]} : vector<576x1024xf32> to vector<576x128xf32>
      %add3A_342 = arith.addf %add3A_340, %slice3A_341 : vector<576x128xf32>
      %lt3A_343 = arith.cmpf olt, %add3A_342, %select_n3A_329 : vector<576x128xf32>
      %select_n3A_344 = arith.select %lt3A_343, %add3A_342, %select_n3A_329 : vector<576x128xi1>, vector<576x128xf32>
      %mul3A_345 = arith.constant 1024 : i32
      %mul3A_346 = arith.muli %scan3A_309, %mul3A_345 : i32
      %add3A_347 = arith.constant 128 : i32
      %add3A_348 = arith.addi %mul3A_346, %add3A_347 : i32
      %broadcast_in_dim3A_349 = vector.broadcast %add3A_348 : i32 to vector<576x128xi32>
      %select_n3A_350 = arith.select %lt3A_343, %broadcast_in_dim3A_349, %select_n3A_335 : vector<576x128xi1>, vector<576x128xi32>
      %slice3A_351 = vector.extract_strided_slice %get3A_320 {offsets = [256], sizes = [128], strides = [1]} : vector<1024xf32> to vector<128xf32>
      %broadcast_in_dim3A_352 = vector.shape_cast %slice3A_351 : vector<128xf32> to vector<1x128xf32>
      %add3A_353 = vector.broadcast %broadcast_in_dim3A : vector<576x1xf32> to vector<576x128xf32>
      %add3A_354 = vector.broadcast %broadcast_in_dim3A_352 : vector<1x128xf32> to vector<576x128xf32>
      %add3A_355 = arith.addf %add3A_353, %add3A_354 : vector<576x128xf32>
      %slice3A_356 = vector.extract_strided_slice %dot_general3A_316 {offsets = [0, 256], sizes = [576, 128], strides = [1, 1]} : vector<576x1024xf32> to vector<576x128xf32>
      %add3A_357 = arith.addf %add3A_355, %slice3A_356 : vector<576x128xf32>
      %lt3A_358 = arith.cmpf olt, %add3A_357, %select_n3A_344 : vector<576x128xf32>
      %select_n3A_359 = arith.select %lt3A_358, %add3A_357, %select_n3A_344 : vector<576x128xi1>, vector<576x128xf32>
      %mul3A_360 = arith.constant 1024 : i32
      %mul3A_361 = arith.muli %scan3A_309, %mul3A_360 : i32
      %add3A_362 = arith.constant 256 : i32
      %add3A_363 = arith.addi %mul3A_361, %add3A_362 : i32
      %broadcast_in_dim3A_364 = vector.broadcast %add3A_363 : i32 to vector<576x128xi32>
      %select_n3A_365 = arith.select %lt3A_358, %broadcast_in_dim3A_364, %select_n3A_350 : vector<576x128xi1>, vector<576x128xi32>
      %slice3A_366 = vector.extract_strided_slice %get3A_320 {offsets = [384], sizes = [128], strides = [1]} : vector<1024xf32> to vector<128xf32>
      %broadcast_in_dim3A_367 = vector.shape_cast %slice3A_366 : vector<128xf32> to vector<1x128xf32>
      %add3A_368 = vector.broadcast %broadcast_in_dim3A : vector<576x1xf32> to vector<576x128xf32>
      %add3A_369 = vector.broadcast %broadcast_in_dim3A_367 : vector<1x128xf32> to vector<576x128xf32>
      %add3A_370 = arith.addf %add3A_368, %add3A_369 : vector<576x128xf32>
      %slice3A_371 = vector.extract_strided_slice %dot_general3A_316 {offsets = [0, 384], sizes = [576, 128], strides = [1, 1]} : vector<576x1024xf32> to vector<576x128xf32>
      %add3A_372 = arith.addf %add3A_370, %slice3A_371 : vector<576x128xf32>
      %lt3A_373 = arith.cmpf olt, %add3A_372, %select_n3A_359 : vector<576x128xf32>
      %select_n3A_374 = arith.select %lt3A_373, %add3A_372, %select_n3A_359 : vector<576x128xi1>, vector<576x128xf32>
      %mul3A_375 = arith.constant 1024 : i32
      %mul3A_376 = arith.muli %scan3A_309, %mul3A_375 : i32
      %add3A_377 = arith.constant 384 : i32
      %add3A_378 = arith.addi %mul3A_376, %add3A_377 : i32
      %broadcast_in_dim3A_379 = vector.broadcast %add3A_378 : i32 to vector<576x128xi32>
      %select_n3A_380 = arith.select %lt3A_373, %broadcast_in_dim3A_379, %select_n3A_365 : vector<576x128xi1>, vector<576x128xi32>
      %slice3A_381 = vector.extract_strided_slice %get3A_320 {offsets = [512], sizes = [128], strides = [1]} : vector<1024xf32> to vector<128xf32>
      %broadcast_in_dim3A_382 = vector.shape_cast %slice3A_381 : vector<128xf32> to vector<1x128xf32>
      %add3A_383 = vector.broadcast %broadcast_in_dim3A : vector<576x1xf32> to vector<576x128xf32>
      %add3A_384 = vector.broadcast %broadcast_in_dim3A_382 : vector<1x128xf32> to vector<576x128xf32>
      %add3A_385 = arith.addf %add3A_383, %add3A_384 : vector<576x128xf32>
      %slice3A_386 = vector.extract_strided_slice %dot_general3A_316 {offsets = [0, 512], sizes = [576, 128], strides = [1, 1]} : vector<576x1024xf32> to vector<576x128xf32>
      %add3A_387 = arith.addf %add3A_385, %slice3A_386 : vector<576x128xf32>
      %lt3A_388 = arith.cmpf olt, %add3A_387, %select_n3A_374 : vector<576x128xf32>
      %select_n3A_389 = arith.select %lt3A_388, %add3A_387, %select_n3A_374 : vector<576x128xi1>, vector<576x128xf32>
      %mul3A_390 = arith.constant 1024 : i32
      %mul3A_391 = arith.muli %scan3A_309, %mul3A_390 : i32
      %add3A_392 = arith.constant 512 : i32
      %add3A_393 = arith.addi %mul3A_391, %add3A_392 : i32
      %broadcast_in_dim3A_394 = vector.broadcast %add3A_393 : i32 to vector<576x128xi32>
      %select_n3A_395 = arith.select %lt3A_388, %broadcast_in_dim3A_394, %select_n3A_380 : vector<576x128xi1>, vector<576x128xi32>
      %slice3A_396 = vector.extract_strided_slice %get3A_320 {offsets = [640], sizes = [128], strides = [1]} : vector<1024xf32> to vector<128xf32>
      %broadcast_in_dim3A_397 = vector.shape_cast %slice3A_396 : vector<128xf32> to vector<1x128xf32>
      %add3A_398 = vector.broadcast %broadcast_in_dim3A : vector<576x1xf32> to vector<576x128xf32>
      %add3A_399 = vector.broadcast %broadcast_in_dim3A_397 : vector<1x128xf32> to vector<576x128xf32>
      %add3A_400 = arith.addf %add3A_398, %add3A_399 : vector<576x128xf32>
      %slice3A_401 = vector.extract_strided_slice %dot_general3A_316 {offsets = [0, 640], sizes = [576, 128], strides = [1, 1]} : vector<576x1024xf32> to vector<576x128xf32>
      %add3A_402 = arith.addf %add3A_400, %slice3A_401 : vector<576x128xf32>
      %lt3A_403 = arith.cmpf olt, %add3A_402, %select_n3A_389 : vector<576x128xf32>
      %select_n3A_404 = arith.select %lt3A_403, %add3A_402, %select_n3A_389 : vector<576x128xi1>, vector<576x128xf32>
      %mul3A_405 = arith.constant 1024 : i32
      %mul3A_406 = arith.muli %scan3A_309, %mul3A_405 : i32
      %add3A_407 = arith.constant 640 : i32
      %add3A_408 = arith.addi %mul3A_406, %add3A_407 : i32
      %broadcast_in_dim3A_409 = vector.broadcast %add3A_408 : i32 to vector<576x128xi32>
      %select_n3A_410 = arith.select %lt3A_403, %broadcast_in_dim3A_409, %select_n3A_395 : vector<576x128xi1>, vector<576x128xi32>
      %slice3A_411 = vector.extract_strided_slice %get3A_320 {offsets = [768], sizes = [128], strides = [1]} : vector<1024xf32> to vector<128xf32>
      %broadcast_in_dim3A_412 = vector.shape_cast %slice3A_411 : vector<128xf32> to vector<1x128xf32>
      %add3A_413 = vector.broadcast %broadcast_in_dim3A : vector<576x1xf32> to vector<576x128xf32>
      %add3A_414 = vector.broadcast %broadcast_in_dim3A_412 : vector<1x128xf32> to vector<576x128xf32>
      %add3A_415 = arith.addf %add3A_413, %add3A_414 : vector<576x128xf32>
      %slice3A_416 = vector.extract_strided_slice %dot_general3A_316 {offsets = [0, 768], sizes = [576, 128], strides = [1, 1]} : vector<576x1024xf32> to vector<576x128xf32>
      %add3A_417 = arith.addf %add3A_415, %slice3A_416 : vector<576x128xf32>
      %lt3A_418 = arith.cmpf olt, %add3A_417, %select_n3A_404 : vector<576x128xf32>
      %select_n3A_419 = arith.select %lt3A_418, %add3A_417, %select_n3A_404 : vector<576x128xi1>, vector<576x128xf32>
      %mul3A_420 = arith.constant 1024 : i32
      %mul3A_421 = arith.muli %scan3A_309, %mul3A_420 : i32
      %add3A_422 = arith.constant 768 : i32
      %add3A_423 = arith.addi %mul3A_421, %add3A_422 : i32
      %broadcast_in_dim3A_424 = vector.broadcast %add3A_423 : i32 to vector<576x128xi32>
      %select_n3A_425 = arith.select %lt3A_418, %broadcast_in_dim3A_424, %select_n3A_410 : vector<576x128xi1>, vector<576x128xi32>
      %slice3A_426 = vector.extract_strided_slice %get3A_320 {offsets = [896], sizes = [128], strides = [1]} : vector<1024xf32> to vector<128xf32>
      %broadcast_in_dim3A_427 = vector.shape_cast %slice3A_426 : vector<128xf32> to vector<1x128xf32>
      %add3A_428 = vector.broadcast %broadcast_in_dim3A : vector<576x1xf32> to vector<576x128xf32>
      %add3A_429 = vector.broadcast %broadcast_in_dim3A_427 : vector<1x128xf32> to vector<576x128xf32>
      %add3A_430 = arith.addf %add3A_428, %add3A_429 : vector<576x128xf32>
      %slice3A_431 = vector.extract_strided_slice %dot_general3A_316 {offsets = [0, 896], sizes = [576, 128], strides = [1, 1]} : vector<576x1024xf32> to vector<576x128xf32>
      %add3A_432 = arith.addf %add3A_430, %slice3A_431 : vector<576x128xf32>
      %lt3A_433 = arith.cmpf olt, %add3A_432, %select_n3A_419 : vector<576x128xf32>
      %select_n3A_434 = arith.select %lt3A_433, %add3A_432, %select_n3A_419 : vector<576x128xi1>, vector<576x128xf32>
      %mul3A_435 = arith.constant 1024 : i32
      %mul3A_436 = arith.muli %scan3A_309, %mul3A_435 : i32
      %add3A_437 = arith.constant 896 : i32
      %add3A_438 = arith.addi %mul3A_436, %add3A_437 : i32
      %broadcast_in_dim3A_439 = vector.broadcast %add3A_438 : i32 to vector<576x128xi32>
      %select_n3A_440 = arith.select %lt3A_433, %broadcast_in_dim3A_439, %select_n3A_425 : vector<576x128xi1>, vector<576x128xi32>
      %scan3A_441 = arith.constant 3 : i32
      %scan3A_442 = arith.addi %scan3A_43, %scan3A_441 : i32
      %mul3A_443 = arith.constant 1024 : i32
      %mul3A_444 = arith.muli %scan3A_442, %mul3A_443 : i32
      %get3A_445 = arith.index_cast %mul3A_444 : i32 to index
      %get3A_446 = arith.constant 0 : index
      %get3A_447 = vector.load %arg8[%get3A_445, %get3A_446] : memref<8192x256xf32, #tpu.memory_space<vmem>>, vector<1024x256xf32>
      %dot_general3A_448 = arith.constant dense<0.000000e+00> : vector<576x1024xf32>
      %dot_general3A_449 = tpu.matmul %add3A_13, %get3A_447, %dot_general3A_448 {dimension_numbers = #tpu.dot_dimension_numbers<[1], [1], [0], [0], [0, 0, 1, 0], [], []>, transpose_lhs_hint = false} : vector<576x256xf32>, vector<1024x256xf32>, vector<576x1024xf32> -> vector<576x1024xf32>
      %mul3A_450 = arith.constant 1024 : i32
      %mul3A_451 = arith.muli %scan3A_442, %mul3A_450 : i32
      %get3A_452 = arith.index_cast %mul3A_451 : i32 to index
      %get3A_453 = vector.load %arg7[%get3A_452] : memref<8192xf32, #tpu.memory_space<vmem>>, vector<1024xf32>
      %slice3A_454 = vector.extract_strided_slice %get3A_453 {offsets = [0], sizes = [128], strides = [1]} : vector<1024xf32> to vector<128xf32>
      %broadcast_in_dim3A_455 = vector.shape_cast %slice3A_454 : vector<128xf32> to vector<1x128xf32>
      %add3A_456 = vector.broadcast %broadcast_in_dim3A : vector<576x1xf32> to vector<576x128xf32>
      %add3A_457 = vector.broadcast %broadcast_in_dim3A_455 : vector<1x128xf32> to vector<576x128xf32>
      %add3A_458 = arith.addf %add3A_456, %add3A_457 : vector<576x128xf32>
      %slice3A_459 = vector.extract_strided_slice %dot_general3A_449 {offsets = [0, 0], sizes = [576, 128], strides = [1, 1]} : vector<576x1024xf32> to vector<576x128xf32>
      %add3A_460 = arith.addf %add3A_458, %slice3A_459 : vector<576x128xf32>
      %lt3A_461 = arith.cmpf olt, %add3A_460, %select_n3A_434 : vector<576x128xf32>
      %select_n3A_462 = arith.select %lt3A_461, %add3A_460, %select_n3A_434 : vector<576x128xi1>, vector<576x128xf32>
      %mul3A_463 = arith.constant 1024 : i32
      %mul3A_464 = arith.muli %scan3A_442, %mul3A_463 : i32
      %add3A_465 = arith.constant 0 : i32
      %add3A_466 = arith.addi %mul3A_464, %add3A_465 : i32
      %broadcast_in_dim3A_467 = vector.broadcast %add3A_466 : i32 to vector<576x128xi32>
      %select_n3A_468 = arith.select %lt3A_461, %broadcast_in_dim3A_467, %select_n3A_440 : vector<576x128xi1>, vector<576x128xi32>
      %slice3A_469 = vector.extract_strided_slice %get3A_453 {offsets = [128], sizes = [128], strides = [1]} : vector<1024xf32> to vector<128xf32>
      %broadcast_in_dim3A_470 = vector.shape_cast %slice3A_469 : vector<128xf32> to vector<1x128xf32>
      %add3A_471 = vector.broadcast %broadcast_in_dim3A : vector<576x1xf32> to vector<576x128xf32>
      %add3A_472 = vector.broadcast %broadcast_in_dim3A_470 : vector<1x128xf32> to vector<576x128xf32>
      %add3A_473 = arith.addf %add3A_471, %add3A_472 : vector<576x128xf32>
      %slice3A_474 = vector.extract_strided_slice %dot_general3A_449 {offsets = [0, 128], sizes = [576, 128], strides = [1, 1]} : vector<576x1024xf32> to vector<576x128xf32>
      %add3A_475 = arith.addf %add3A_473, %slice3A_474 : vector<576x128xf32>
      %lt3A_476 = arith.cmpf olt, %add3A_475, %select_n3A_462 : vector<576x128xf32>
      %select_n3A_477 = arith.select %lt3A_476, %add3A_475, %select_n3A_462 : vector<576x128xi1>, vector<576x128xf32>
      %mul3A_478 = arith.constant 1024 : i32
      %mul3A_479 = arith.muli %scan3A_442, %mul3A_478 : i32
      %add3A_480 = arith.constant 128 : i32
      %add3A_481 = arith.addi %mul3A_479, %add3A_480 : i32
      %broadcast_in_dim3A_482 = vector.broadcast %add3A_481 : i32 to vector<576x128xi32>
      %select_n3A_483 = arith.select %lt3A_476, %broadcast_in_dim3A_482, %select_n3A_468 : vector<576x128xi1>, vector<576x128xi32>
      %slice3A_484 = vector.extract_strided_slice %get3A_453 {offsets = [256], sizes = [128], strides = [1]} : vector<1024xf32> to vector<128xf32>
      %broadcast_in_dim3A_485 = vector.shape_cast %slice3A_484 : vector<128xf32> to vector<1x128xf32>
      %add3A_486 = vector.broadcast %broadcast_in_dim3A : vector<576x1xf32> to vector<576x128xf32>
      %add3A_487 = vector.broadcast %broadcast_in_dim3A_485 : vector<1x128xf32> to vector<576x128xf32>
      %add3A_488 = arith.addf %add3A_486, %add3A_487 : vector<576x128xf32>
      %slice3A_489 = vector.extract_strided_slice %dot_general3A_449 {offsets = [0, 256], sizes = [576, 128], strides = [1, 1]} : vector<576x1024xf32> to vector<576x128xf32>
      %add3A_490 = arith.addf %add3A_488, %slice3A_489 : vector<576x128xf32>
      %lt3A_491 = arith.cmpf olt, %add3A_490, %select_n3A_477 : vector<576x128xf32>
      %select_n3A_492 = arith.select %lt3A_491, %add3A_490, %select_n3A_477 : vector<576x128xi1>, vector<576x128xf32>
      %mul3A_493 = arith.constant 1024 : i32
      %mul3A_494 = arith.muli %scan3A_442, %mul3A_493 : i32
      %add3A_495 = arith.constant 256 : i32
      %add3A_496 = arith.addi %mul3A_494, %add3A_495 : i32
      %broadcast_in_dim3A_497 = vector.broadcast %add3A_496 : i32 to vector<576x128xi32>
      %select_n3A_498 = arith.select %lt3A_491, %broadcast_in_dim3A_497, %select_n3A_483 : vector<576x128xi1>, vector<576x128xi32>
      %slice3A_499 = vector.extract_strided_slice %get3A_453 {offsets = [384], sizes = [128], strides = [1]} : vector<1024xf32> to vector<128xf32>
      %broadcast_in_dim3A_500 = vector.shape_cast %slice3A_499 : vector<128xf32> to vector<1x128xf32>
      %add3A_501 = vector.broadcast %broadcast_in_dim3A : vector<576x1xf32> to vector<576x128xf32>
      %add3A_502 = vector.broadcast %broadcast_in_dim3A_500 : vector<1x128xf32> to vector<576x128xf32>
      %add3A_503 = arith.addf %add3A_501, %add3A_502 : vector<576x128xf32>
      %slice3A_504 = vector.extract_strided_slice %dot_general3A_449 {offsets = [0, 384], sizes = [576, 128], strides = [1, 1]} : vector<576x1024xf32> to vector<576x128xf32>
      %add3A_505 = arith.addf %add3A_503, %slice3A_504 : vector<576x128xf32>
      %lt3A_506 = arith.cmpf olt, %add3A_505, %select_n3A_492 : vector<576x128xf32>
      %select_n3A_507 = arith.select %lt3A_506, %add3A_505, %select_n3A_492 : vector<576x128xi1>, vector<576x128xf32>
      %mul3A_508 = arith.constant 1024 : i32
      %mul3A_509 = arith.muli %scan3A_442, %mul3A_508 : i32
      %add3A_510 = arith.constant 384 : i32
      %add3A_511 = arith.addi %mul3A_509, %add3A_510 : i32
      %broadcast_in_dim3A_512 = vector.broadcast %add3A_511 : i32 to vector<576x128xi32>
      %select_n3A_513 = arith.select %lt3A_506, %broadcast_in_dim3A_512, %select_n3A_498 : vector<576x128xi1>, vector<576x128xi32>
      %slice3A_514 = vector.extract_strided_slice %get3A_453 {offsets = [512], sizes = [128], strides = [1]} : vector<1024xf32> to vector<128xf32>
      %broadcast_in_dim3A_515 = vector.shape_cast %slice3A_514 : vector<128xf32> to vector<1x128xf32>
      %add3A_516 = vector.broadcast %broadcast_in_dim3A : vector<576x1xf32> to vector<576x128xf32>
      %add3A_517 = vector.broadcast %broadcast_in_dim3A_515 : vector<1x128xf32> to vector<576x128xf32>
      %add3A_518 = arith.addf %add3A_516, %add3A_517 : vector<576x128xf32>
      %slice3A_519 = vector.extract_strided_slice %dot_general3A_449 {offsets = [0, 512], sizes = [576, 128], strides = [1, 1]} : vector<576x1024xf32> to vector<576x128xf32>
      %add3A_520 = arith.addf %add3A_518, %slice3A_519 : vector<576x128xf32>
      %lt3A_521 = arith.cmpf olt, %add3A_520, %select_n3A_507 : vector<576x128xf32>
      %select_n3A_522 = arith.select %lt3A_521, %add3A_520, %select_n3A_507 : vector<576x128xi1>, vector<576x128xf32>
      %mul3A_523 = arith.constant 1024 : i32
      %mul3A_524 = arith.muli %scan3A_442, %mul3A_523 : i32
      %add3A_525 = arith.constant 512 : i32
      %add3A_526 = arith.addi %mul3A_524, %add3A_525 : i32
      %broadcast_in_dim3A_527 = vector.broadcast %add3A_526 : i32 to vector<576x128xi32>
      %select_n3A_528 = arith.select %lt3A_521, %broadcast_in_dim3A_527, %select_n3A_513 : vector<576x128xi1>, vector<576x128xi32>
      %slice3A_529 = vector.extract_strided_slice %get3A_453 {offsets = [640], sizes = [128], strides = [1]} : vector<1024xf32> to vector<128xf32>
      %broadcast_in_dim3A_530 = vector.shape_cast %slice3A_529 : vector<128xf32> to vector<1x128xf32>
      %add3A_531 = vector.broadcast %broadcast_in_dim3A : vector<576x1xf32> to vector<576x128xf32>
      %add3A_532 = vector.broadcast %broadcast_in_dim3A_530 : vector<1x128xf32> to vector<576x128xf32>
      %add3A_533 = arith.addf %add3A_531, %add3A_532 : vector<576x128xf32>
      %slice3A_534 = vector.extract_strided_slice %dot_general3A_449 {offsets = [0, 640], sizes = [576, 128], strides = [1, 1]} : vector<576x1024xf32> to vector<576x128xf32>
      %add3A_535 = arith.addf %add3A_533, %slice3A_534 : vector<576x128xf32>
      %lt3A_536 = arith.cmpf olt, %add3A_535, %select_n3A_522 : vector<576x128xf32>
      %select_n3A_537 = arith.select %lt3A_536, %add3A_535, %select_n3A_522 : vector<576x128xi1>, vector<576x128xf32>
      %mul3A_538 = arith.constant 1024 : i32
      %mul3A_539 = arith.muli %scan3A_442, %mul3A_538 : i32
      %add3A_540 = arith.constant 640 : i32
      %add3A_541 = arith.addi %mul3A_539, %add3A_540 : i32
      %broadcast_in_dim3A_542 = vector.broadcast %add3A_541 : i32 to vector<576x128xi32>
      %select_n3A_543 = arith.select %lt3A_536, %broadcast_in_dim3A_542, %select_n3A_528 : vector<576x128xi1>, vector<576x128xi32>
      %slice3A_544 = vector.extract_strided_slice %get3A_453 {offsets = [768], sizes = [128], strides = [1]} : vector<1024xf32> to vector<128xf32>
      %broadcast_in_dim3A_545 = vector.shape_cast %slice3A_544 : vector<128xf32> to vector<1x128xf32>
      %add3A_546 = vector.broadcast %broadcast_in_dim3A : vector<576x1xf32> to vector<576x128xf32>
      %add3A_547 = vector.broadcast %broadcast_in_dim3A_545 : vector<1x128xf32> to vector<576x128xf32>
      %add3A_548 = arith.addf %add3A_546, %add3A_547 : vector<576x128xf32>
      %slice3A_549 = vector.extract_strided_slice %dot_general3A_449 {offsets = [0, 768], sizes = [576, 128], strides = [1, 1]} : vector<576x1024xf32> to vector<576x128xf32>
      %add3A_550 = arith.addf %add3A_548, %slice3A_549 : vector<576x128xf32>
      %lt3A_551 = arith.cmpf olt, %add3A_550, %select_n3A_537 : vector<576x128xf32>
      %select_n3A_552 = arith.select %lt3A_551, %add3A_550, %select_n3A_537 : vector<576x128xi1>, vector<576x128xf32>
      %mul3A_553 = arith.constant 1024 : i32
      %mul3A_554 = arith.muli %scan3A_442, %mul3A_553 : i32
      %add3A_555 = arith.constant 768 : i32
      %add3A_556 = arith.addi %mul3A_554, %add3A_555 : i32
      %broadcast_in_dim3A_557 = vector.broadcast %add3A_556 : i32 to vector<576x128xi32>
      %select_n3A_558 = arith.select %lt3A_551, %broadcast_in_dim3A_557, %select_n3A_543 : vector<576x128xi1>, vector<576x128xi32>
      %slice3A_559 = vector.extract_strided_slice %get3A_453 {offsets = [896], sizes = [128], strides = [1]} : vector<1024xf32> to vector<128xf32>
      %broadcast_in_dim3A_560 = vector.shape_cast %slice3A_559 : vector<128xf32> to vector<1x128xf32>
      %add3A_561 = vector.broadcast %broadcast_in_dim3A : vector<576x1xf32> to vector<576x128xf32>
      %add3A_562 = vector.broadcast %broadcast_in_dim3A_560 : vector<1x128xf32> to vector<576x128xf32>
      %add3A_563 = arith.addf %add3A_561, %add3A_562 : vector<576x128xf32>
      %slice3A_564 = vector.extract_strided_slice %dot_general3A_449 {offsets = [0, 896], sizes = [576, 128], strides = [1, 1]} : vector<576x1024xf32> to vector<576x128xf32>
      %add3A_565 = arith.addf %add3A_563, %slice3A_564 : vector<576x128xf32>
      %lt3A_566 = arith.cmpf olt, %add3A_565, %select_n3A_552 : vector<576x128xf32>
      %select_n3A_567 = arith.select %lt3A_566, %add3A_565, %select_n3A_552 : vector<576x128xi1>, vector<576x128xf32>
      %mul3A_568 = arith.constant 1024 : i32
      %mul3A_569 = arith.muli %scan3A_442, %mul3A_568 : i32
      %add3A_570 = arith.constant 896 : i32
      %add3A_571 = arith.addi %mul3A_569, %add3A_570 : i32
      %broadcast_in_dim3A_572 = vector.broadcast %add3A_571 : i32 to vector<576x128xi32>
      %select_n3A_573 = arith.select %lt3A_566, %broadcast_in_dim3A_572, %select_n3A_558 : vector<576x128xi1>, vector<576x128xi32>
      scf.yield %select_n3A_567, %select_n3A_573 : vector<576x128xf32>, vector<576x128xi32>
    }
    %scan3A_23 = arith.constant 8 : i32
    %iota3A = tpu.iota {dimensions = array<i32: 1>} : vector<576x128xi32>
    %add3A_24 = arith.addi %scan3A_22#1, %iota3A : vector<576x128xi32>
    %reduce_min3A = arith.constant dense<0x7F800000> : vector<576xf32>
    %reduce_min3A_25 = vector.multi_reduction <minimumf>, %scan3A_22#0, %reduce_min3A [1] : vector<576x128xf32> to vector<576xf32>
    %broadcast_in_dim3A_26 = vector.shape_cast %reduce_min3A_25 : vector<576xf32> to vector<576x1xf32>
    %eq3A_27 = vector.broadcast %broadcast_in_dim3A_26 : vector<576x1xf32> to vector<576x128xf32>
    %eq3A_28 = arith.cmpf oeq, %scan3A_22#0, %eq3A_27 : vector<576x128xf32>
    %jit3A = arith.constant 8192 : i32
    %broadcast_in_dim3A_29 = vector.broadcast %jit3A : i32 to vector<576x128xi32>
    %select_n3A = arith.select %eq3A_28, %add3A_24, %broadcast_in_dim3A_29 : vector<576x128xi1>, vector<576x128xi32>
    %reduce_min3A_30 = arith.constant dense<2147483647> : vector<576xi32>
    %reduce_min3A_31 = vector.multi_reduction <minsi>, %select_n3A, %reduce_min3A_30 [1] : vector<576x128xi32> to vector<576xi32>
    %swap3A = arith.constant 0 : index
    %swap3A_32 = arith.constant 0 : index
    %swap3A_33 = arith.constant 0 : index
    %swap3A_34 = vector.load %arg5[%swap3A, %swap3A_32, %swap3A_33] : memref<1x1x576xi32, #tpu.memory_space<vmem>>, vector<1x1x576xi32>
    %swap3A_35 = vector.shape_cast %swap3A_34 : vector<1x1x576xi32> to vector<576xi32>
    %swap3A_36 = vector.shape_cast %reduce_min3A_31 : vector<576xi32> to vector<1x1x576xi32>
    tpu.vector_store %arg5[%swap3A, %swap3A_32, %swap3A_33], %swap3A_36 {strides = array<i32>} : memref<1x1x576xi32, #tpu.memory_space<vmem>>, vector<1x1x576xi32>,
    %swap3A_37 = arith.constant 0 : index
    %swap3A_38 = arith.constant 0 : index
    %swap3A_39 = arith.constant 0 : index
    %swap3A_40 = vector.load %arg6[%swap3A_37, %swap3A_38, %swap3A_39] : memref<1x1x576xf32, #tpu.memory_space<vmem>>, vector<1x1x576xf32>
    %swap3A_41 = vector.shape_cast %swap3A_40 : vector<1x1x576xf32> to vector<576xf32>
    %swap3A_42 = vector.shape_cast %reduce_min3A_25 : vector<576xf32> to vector<1x1x576xf32>
    tpu.vector_store %arg6[%swap3A_37, %swap3A_38, %swap3A_39], %swap3A_42 {strides = array<i32>} : memref<1x1x576xf32, #tpu.memory_space<vmem>>, vector<1x1x576xf32>,
    return
  }
  func.func @transform_0(%arg0: i32) -> (i32, i32, i32) {
    %c0_i32 = arith.constant 0 : i32
    %c0_i32_0 = arith.constant 0 : i32
    %c0_i32_1 = arith.constant 0 : i32
    return %arg0, %c0_i32, %c0_i32_0 : i32, i32, i32
  }
  func.func @transform_1(%arg0: i32) -> (i32, i32) {
    %c0_i32 = arith.constant 0 : i32
    %c0_i32_0 = arith.constant 0 : i32
    %c0_i32_1 = arith.constant 0 : i32
    return %c0_i32, %c0_i32_0 : i32, i32
  }
  func.func @transform_2(%arg0: i32) -> (i32, i32) {
    %c0_i32 = arith.constant 0 : i32
    %c0_i32_0 = arith.constant 0 : i32
    %c0_i32_1 = arith.constant 0 : i32
    return %c0_i32, %c0_i32_0 : i32, i32
  }
  func.func @transform_3(%arg0: i32) -> (i32, i32) {
    %c0_i32 = arith.constant 0 : i32
    %c0_i32_0 = arith.constant 0 : i32
    %c0_i32_1 = arith.constant 0 : i32
    return %c0_i32, %c0_i32_0 : i32, i32
  }
  func.func @transform_4(%arg0: i32) -> (i32, i32, i32) {
    %c0_i32 = arith.constant 0 : i32
    %c0_i32_0 = arith.constant 0 : i32
    %c0_i32_1 = arith.constant 0 : i32
    return %arg0, %c0_i32, %c0_i32_0 : i32, i32, i32
  }
  func.func @transform_5(%arg0: i32) -> (i32, i32, i32) {
    %c0_i32 = arith.constant 0 : i32
    %c0_i32_0 = arith.constant 0 : i32
    %c0_i32_1 = arith.constant 0 : i32
    return %arg0, %c0_i32, %c0_i32_0 : i32, i32, i32
  }
}

module attributes {stable_mosaic.version = 14 : i64} {
  func.func @_fin_body(%arg0: memref<2x1024x128xf32, #tpu.memory_space<vmem>>, %arg1: memref<4608xf32, #tpu.memory_space<vmem>>, %arg2: memref<1x1xf32, #tpu.memory_space<smem>>, %arg3: memref<1x1xf32, #tpu.memory_space<smem>>) attributes {dimension_semantics = [], scalar_prefetch = 0 : i64, scratch_operands = 0 : i64, tpu.core_type = #tpu.core_type<tc>} {
    %get3A = arith.constant 0 : index
    %get3A_0 = arith.constant 0 : index
    %get3A_1 = arith.constant 0 : index
    %get3A_2 = vector.load %arg0[%get3A, %get3A_0, %get3A_1] : memref<2x1024x128xf32, #tpu.memory_space<vmem>>, vector<1x1024x128xf32>
    %get3A_3 = vector.shape_cast %get3A_2 : vector<1x1024x128xf32> to vector<1024x128xf32>
    %get3A_4 = arith.constant 1 : index
    %get3A_5 = arith.constant 0 : index
    %get3A_6 = arith.constant 0 : index
    %get3A_7 = vector.load %arg0[%get3A_4, %get3A_5, %get3A_6] : memref<2x1024x128xf32, #tpu.memory_space<vmem>>, vector<1x1024x128xf32>
    %get3A_8 = vector.shape_cast %get3A_7 : vector<1x1024x128xf32> to vector<1024x128xf32>
    %add3A = arith.addf %get3A_3, %get3A_8 : vector<1024x128xf32>
    %div3A = arith.constant 4.608000e+03 : f32
    %div3A_9 = vector.broadcast %div3A : f32 to vector<1024x128xf32>
    %div3A_10 = arith.divf %add3A, %div3A_9 : vector<1024x128xf32>
    %add3A_11 = arith.constant 1.000000e-10 : f32
    %add3A_12 = vector.broadcast %add3A_11 : f32 to vector<1024x128xf32>
    %add3A_13 = arith.addf %div3A_10, %add3A_12 : vector<1024x128xf32>
    %log3A = math.log %add3A_13 : vector<1024x128xf32>
    %mul3A = arith.mulf %div3A_10, %log3A : vector<1024x128xf32>
    %reduce_sum3A = vector.shape_cast %mul3A : vector<1024x128xf32> to vector<1x1024x128xf32>
    %reduce_sum3A_14 = arith.constant dense<0.000000e+00> : vector<1xf32>
    %reduce_sum3A_15 = vector.multi_reduction <add>, %reduce_sum3A, %reduce_sum3A_14 [1, 2] : vector<1x1024x128xf32> to vector<1xf32>
    %reduce_sum3A_16 = vector.shape_cast %reduce_sum3A_15 : vector<1xf32> to vector<1x1x1xf32>
    %reduce_sum3A_17 = vector.extract %reduce_sum3A_16[0, 0, 0] : f32 from vector<1x1x1xf32>
    %neg3A = arith.constant 0.000000e+00 : f32
    %neg3A_18 = arith.subf %neg3A, %reduce_sum3A_17 : f32
    %div3A_19 = arith.constant 1.600000e+01 : f32
    %div3A_20 = arith.divf %neg3A_18, %div3A_19 : f32
    %get3A_21 = arith.constant 0 : index
    %get3A_22 = vector.load %arg1[%get3A_21] : memref<4608xf32, #tpu.memory_space<vmem>>, vector<4608xf32>
    %reduce_sum3A_23 = vector.shape_cast %get3A_22 : vector<4608xf32> to vector<1x4608xf32>
    %reduce_sum3A_24 = arith.constant dense<0.000000e+00> : vector<1xf32>
    %reduce_sum3A_25 = vector.multi_reduction <add>, %reduce_sum3A_23, %reduce_sum3A_24 [1] : vector<1x4608xf32> to vector<1xf32>
    %reduce_sum3A_26 = vector.shape_cast %reduce_sum3A_25 : vector<1xf32> to vector<1x1xf32>
    %reduce_sum3A_27 = vector.extract %reduce_sum3A_26[0, 0] : f32 from vector<1x1xf32>
    %div3A_28 = arith.constant 0x49900000 : f32
    %div3A_29 = arith.divf %reduce_sum3A_27, %div3A_28 : f32
    %mul3A_30 = arith.constant 2.500000e-01 : f32
    %mul3A_31 = arith.mulf %mul3A_30, %div3A_29 : f32
    %swap3A = arith.constant 0 : index
    %swap3A_32 = arith.constant 0 : index
    %swap3A_33 = memref.load %arg2[%swap3A, %swap3A_32] : memref<1x1xf32, #tpu.memory_space<smem>>
    memref.store %mul3A_31, %arg2[%swap3A, %swap3A_32] : memref<1x1xf32, #tpu.memory_space<smem>>
    %swap3A_34 = arith.constant 0 : index
    %swap3A_35 = arith.constant 0 : index
    %swap3A_36 = memref.load %arg3[%swap3A_34, %swap3A_35] : memref<1x1xf32, #tpu.memory_space<smem>>
    memref.store %div3A_20, %arg3[%swap3A_34, %swap3A_35] : memref<1x1xf32, #tpu.memory_space<smem>>
    return
  }
}

</mosaic_0001>

<sc_bundles>
// kernel: kernel.6.cloned.1.call-start
scs
__scs_entry_jumppad:
0x0: {  	(pc) =	sbr.rel $0x88, $3  }
0x1: {  	(tag) =	ssettag $0x0;
	lr =	simm.s32 $0x1  }
0x2: {  	[smem:$0x3F9D] =	sst lr;
	_ =	strace $0xD0000000  }
0x3: {  	_ = 	snop  }
0x4: {  	_ = 	snop  }
0x5: {  	_ = 	snop  }
0x6: {  	_ = 	snop  }
0x7: {  	_ = 	snop  }
__scs_overlays_trampoline_lowered:
0x8: {  	[smem:$0x3FAC] =	sst s0  }
0x9: {  	[smem:$0x3FAD] =	sst s1  }
0xa: {  	[smem:$0x3FAE] =	sst s2  }
0xb: {  	[smem:$0x3FAF] =	sst s3  }
0xc: {  	[smem:$0x3FB0] =	sst s4  }
0xd: {  	[smem:$0x3FB1] =	sst s5  }
0xe: {  	[smem:$0x3FB2] =	sst s6  }
0xf: {  	[smem:$0x3FB3] =	sst s7  }
0x10: {  	[smem:$0x3FB4] =	sst s8  }
0x11: {  	[smem:$0x3FB5] =	sst s9;
	s0 =	simm.s32 @!p0 $0x0  }
0x12: {  	s1 =	sld [smem:$0x3F9B];
	s0 =	simm.s32 @p0 $0x1  }
0x13: {  	[smem:$0x3FB6] =	sst s0;
	s0 =	simm.s32 @!p1 $0x0  }
0x14: {  	s2 =	sld [smem:$0x3F9A];
	s0 =	simm.s32 @p1 $0x1  }
0x15: {  	[smem:$0x3FB7] =	sst s0;
	s0 =	simm.s32 @!p2 $0x0  }
0x16: {  	s3 =	sld [smem:$0x3FDB];
	s0 =	simm.s32 @p2 $0x1  }
0x17: {  	s4 =	simm.s32 $0x1BF5;
	[smem:$0x3FB9] =	sst s0  }
0x18: {  	s0 =	sld [smem:$0x3F9C];
	_ =	swait.ge [sflag:s4], $0x0  }
0x19: {  	s7 =	sld [smem:$0x3F9D]  }
0x1a: {  	s8 =	sadd.s32 $0xFFFFE003, lr  }
0x1b: {  	s9 =	sadd.s32 $0xFFFFFEF7, lr;
	s5 =	simm.s32 $0xFFFFFFFF;
	p2 =	slt.u32 s8, $0xFFFFF086  }
0x1c: {  	p1 =	slt.u32 s9, $0xF7A;
	s5 =	simm.s32 @!p2 $0x0  }
0x1d: {  	s5 =	simm.s32 @p1 $0x1;
	p0 =	seq.s32 s7, s2  }
0x1e: {  	s7 =	smul.u32 @!p0 $0xF7A, s2;
	p2 =	seq.s32 @!p0 s5, $0x0  }
0x1f: {  	s9 =	smul.u32 $0xF7A, s1;
	s8 =	simm.s32 @!p0 $0x1BF5;
	p2 =	por !p2, p0  }
0x20: {  	[sflag:s8] =	ssyncset.s32 @!p0 $0xFFFFF086;
	s6 =	sadd.s32 @!p0 s3, s7;
	s7 =	simm.s32 @!p0 $0x108  }
0x21: {  	s3 =	sadd.s32 s3, s9;
	s6 =	sadd.s32 @!p0 $0x88, s6;
	s7 =	simm.s32 @p2 $0x1082  }
0x22: {  	[simem:s7], [sflag:s8] =	dma.local @!p0 [hbm:s6], $0xF7A  }
0x23: {  	s9 =	sor.u32 $0xD0000000, s2;
	s6 =	simm.s32 $0x108;
	_ =	swait.ge @!p0 [sflag:s8], $0x0  }
0x24: {  	s3 =	sadd.s32 $0x88, s3;
	s6 =	simm.s32 @!p1 $0x1082;
	[sflag:s4] =	ssyncset.s32 $0xFFFFF086  }
0x25: {  	[simem:s6], [sflag:s4] =	dma.local [hbm:s3], $0xF7A  }
0x26: {  	[smem:$0x3F9D] =	sst s1;
	(tag) =	ssettag s2;
	_ =	strace s9  }
0x27: {  	s1 =	sld [smem:$0x3FAD]  }
0x28: {  	s2 =	sld [smem:$0x3FAE]  }
0x29: {  	s4 =	sld [smem:$0x3FB0]  }
0x2a: {  	p0 =	seq.s32 s5, $0x0;
	s5 =	sld [smem:$0x3FB1]  }
0x2b: {  	s6 =	sld [smem:$0x3FB2]  }
0x2c: {  	s7 =	sld [smem:$0x3FB3]  }
0x2d: {  	s3 =	simm.s32 $0x108;
	s8 =	sld [smem:$0x3FB4]  }
0x2e: {  	s3 =	simm.s32 @!p0 $0x1082;
	s9 =	sld [smem:$0x3FB5]  }
0x2f: {  	lr =	sadd.s32 s0, s3;
	s0 =	sld [smem:$0x3FAC]  }
0x30: {  	s3 =	sld [smem:$0x3FAF]  }
0x31: {  	[smem:$0x3FB8] =	sst s10  }
0x32: {  	s10 =	sld [smem:$0x3FB6];
	_ =	sdelay $0x3  }
0x33: {  	p0 =	seq.s32 s10, $0x1;
	s10 =	sld [smem:$0x3FB8];
	_ =	sdelay $0x3  }
0x34: {  	[smem:$0x3FB8] =	sst s10  }
0x35: {  	s10 =	sld [smem:$0x3FB7];
	_ =	sdelay $0x3  }
0x36: {  	p1 =	seq.s32 s10, $0x1;
	s10 =	sld [smem:$0x3FB8];
	_ =	sdelay $0x3  }
0x37: {  	[smem:$0x3FB8] =	sst s10  }
0x38: {  	s10 =	sld [smem:$0x3FB9]  }
0x39: {  	_ = 	snop;
	(pc) =	sbr.ind lr, $3  }
0x3a: {  	_ = 	snop  }
0x3b: {  	_ = 	snop  }
0x3c: {  	p2 =	seq.s32 s10, $0x1;
	s10 =	sld [smem:$0x3FB8]  }
0x3d: {  	_ =	shalt  }
0x3e: {  	_ =	shalt  }
0x3f: {  	_ =	shalt  }
0x40: {  	_ =	shalt  }
0x41: {  	_ =	shalt  }
0x42: {  	_ =	shalt  }
0x43: {  	_ =	shalt  }
0x44: {  	_ =	shalt  }
0x45: {  	_ =	shalt  }
0x46: {  	_ =	shalt  }
0x47: {  	_ =	shalt  }
0x48: {  	_ =	shalt  }
0x49: {  	_ =	shalt  }
0x4a: {  	_ =	shalt  }
0x4b: {  	_ =	shalt  }
0x4c: {  	_ =	shalt  }
0x4d: {  	_ =	shalt  }
0x4e: {  	_ =	shalt  }
0x4f: {  	_ =	shalt  }
0x50: {  	_ =	shalt  }
0x51: {  	_ =	shalt  }
0x52: {  	_ =	shalt  }
0x53: {  	_ =	shalt  }
0x54: {  	_ =	shalt  }
0x55: {  	_ =	shalt  }
0x56: {  	_ =	shalt  }
0x57: {  	_ =	shalt  }
0x58: {  	_ =	shalt  }
0x59: {  	_ =	shalt  }
0x5a: {  	_ =	shalt  }
0x5b: {  	_ =	shalt  }
0x5c: {  	_ =	shalt  }
0x5d: {  	_ =	shalt  }
0x5e: {  	_ =	shalt  }
0x5f: {  	_ =	shalt  }
0x60: {  	_ =	shalt  }
0x61: {  	_ =	shalt  }
0x62: {  	_ =	shalt  }
0x63: {  	_ =	shalt  }
0x64: {  	_ =	shalt  }
0x65: {  	_ =	shalt  }
0x66: {  	_ =	shalt  }
0x67: {  	_ =	shalt  }
0x68: {  	_ =	shalt  }
0x69: {  	_ =	shalt  }
0x6a: {  	_ =	shalt  }
0x6b: {  	_ =	shalt  }
0x6c: {  	_ =	shalt  }
0x6d: {  	_ =	shalt  }
0x6e: {  	_ =	shalt  }
0x6f: {  	_ =	shalt  }
0x70: {  	_ =	shalt  }
0x71: {  	_ =	shalt  }
0x72: {  	_ =	shalt  }
0x73: {  	_ =	shalt  }
0x74: {  	_ =	shalt  }
0x75: {  	_ =	shalt  }
0x76: {  	_ =	shalt  }
0x77: {  	_ =	shalt  }
0x78: {  	_ =	shalt  }
0x79: {  	_ =	shalt  }
0x7a: {  	_ =	shalt  }
0x7b: {  	_ =	shalt  }
0x7c: {  	_ =	shalt  }
0x7d: {  	_ =	shalt  }
0x7e: {  	_ =	shalt  }
0x7f: {  	_ =	shalt  }
0x80: {  	_ =	shalt  }
0x81: {  	_ =	shalt  }
0x82: {  	_ =	shalt  }
0x83: {  	_ =	shalt  }
0x84: {  	_ =	shalt  }
0x85: {  	_ =	shalt  }
0x86: {  	_ =	shalt  }
0x87: {  	_ =	shalt  }
.Lfunc_end0:
.L_simem_size_0:
called_computation_lowered:
.L_overlay_start_0:
0x88: {  	s2 =	sld [smem:$0x3FD9]  }
0x89: {  	s3 =	sld [smem:$0x3FFE];
	_ =	sdelay $0x1  }
0x8a: {  	s1 =	srdreg.scid  }
0x8b: {  	s0 =	sand.u32 $0x1, s1  }
0x8c: {  	s15 =	sshll.u32 s0, $0xA;
	s2 =	sadd.s32 s3, s2  }
0x8d: {  	s2 =	sadd.s32 s2, s15  }
0x8e: {  	[smem:$0x3FC4] =	sst s2  }
0x8f: {  	_ = 	snop  }
0x90: {  	s16 =	sld [smem:$0x3FD0];
	_ =	sdelay $0x2  }
0x91: {  	s4 =	simm.s32 $0xB;
	s5 =	simm.s32 $0x10;
	s2 =	sld [smem:$0x3FC6]  }
0x92: {  	[smem:s5], [sflag:s4] =	dma.local [hbm:s16], $0x1  }
0x93: {  	_ =	swait.eq [sflag:s4], $0x1  }
0x94: {  	[sflag:s4] =	ssyncset.done $0x0  }
0x95: {  	[sflag:s4] =	ssyncadd.s32 $0xFFFFFFFF  }
0x96: {  	s17 =	sld [smem:$0x10];
	(tm) =	ssettm $0x1  }
0x97: {  	s18 =	sld [smem:$0x3FFB];
	_ =	sdelay $0x3  }
0x98: {  	_ =	strace s18  }
0x99: {  	s3 =	sld [smem:$0x3FFC];
	_ =	sdelay $0x3  }
0x9a: {  	_ =	strace s3  }
0x9b: {  	s3 =	sld [smem:$0x3FFD];
	_ =	sdelay $0x3  }
0x9c: {  	_ =	strace s3  }
0x9d: {  	_ =	strace $0x8FFFFFFF  }
0x9e: {  	s19 =	sld [smem:$0x3FDB];
	_ =	sdelay $0x1  }
0x9f: {  	s20 =	simm.s32 $_scs_section_size  }
0xa0: {  	s6 =	simm.s32 $_size__tile_overlayer_lowered;
	s7 =	simm.s32 $_tile_overlayer_lowered  }
0xa1: {  	s8 =	simm.s32 $0x1BFF;
	s21 =	sshll.u32 s7, $0x1;
	s5 =	sadd.s32 s20, s19  }
0xa2: {  	s22 =	simm.s32 $0x0;
	s6 =	sshll.u32 s6, $0x1;
	s7 =	sadd.s32 s21, s5  }
0xa3: {  	[timem:s22], [sflag:s8] =	dma.local [hbm:s7], s6  }
0xa4: {  	_ =	swait.ge [sflag:s8], s6  }
0xa5: {  	s6 =	ssub.s32 $0x0, s6;
	[sflag:s8] =	ssyncset.done $0x0  }
0xa6: {  	[sflag:s8] =	ssyncadd.s32 s6;
	_ =	sdelay $0x1  }
0xa7: {  	s23 =	simm.s32 $0x1B8B  }
0xa8: {  	_ =	swait.ge [sflag:s23], $0x1  }
0xa9: {  	[sflag:s23] =	ssyncset.done $0x0  }
0xaa: {  	[sflag:s23] =	ssyncadd.s32 $0xFFFFFFFF  }
0xab: {  	s6 =	sld [smem:$0x0]  }
0xac: {  	s7 =	sand.u32 $0xFFFFFFFE, s1  }
0xad: {  	p0 =	sne.s32 s1, s7  }
0xae: {  	s7 =	sshll.u32 @p0 s7, $0xE  }
0xaf: {  	s7 =	sadd.s32 @p0 $0x11B8D, s7;
	s8 =	sshll.u32 @p0 s6, $0x11  }
0xb0: {  	s7 =	sor.u32 @p0 s8, s7  }
0xb1: {  	[sflag:s7] =	ssyncadd.remote.s32 @p0 $0x1;
	_ =	sdelay $0x1  }
0xb2: {  	s7 =	simm.s32 @p0 $0x1B8D  }
0xb3: {  	_ =	swait.eq @p0 [sflag:s7], $0x1  }
0xb4: {  	[sflag:s7] =	ssyncadd.s32 @p0 $0xFFFFFFFF  }
0xb5: {  	s8 =	sshll.u32 @!p0 s1, $0xE  }
0xb6: {  	s8 =	sor.u32 @!p0 $0x4000, s8;
	s7 =	simm.s32 @!p0 $0x1B8D  }
0xb7: {  	s6 =	sshll.u32 @!p0 s6, $0x11;
	s8 =	sadd.s32 @!p0 $0x11B8D, s8;
	_ =	swait.eq @!p0 [sflag:s7], $0x1  }
0xb8: {  	s6 =	sor.u32 @!p0 s6, s8;
	[sflag:s7] =	ssyncadd.s32 @!p0 $0xFFFFFFFF  }
0xb9: {  	s25 =	simm.s32 $0x1B8E;
	s24 =	sld [smem:$0x3FFE];
	[sflag:s6] =	ssyncadd.remote.s32 @!p0 $0x1  }
0xba: {  	s26 =	simm.s32 $execute0_lowered;
	[smem:$0x3FD2] =	sst s25  }
0xbb: {  	s7 =	sshll.u32 s26, $0x1;
	_ =	strace $0x80000049;
	[dreg:$0x1] =	wrdreg $0xFFFFFFFF  }
0xbc: {  	s28 =	simm.s32 $_size_execute0_lowered;
	s5 =	sadd.s32 s5, s7;
	[dreg:$0x0] =	wrdreg $0x0  }
0xbd: {  	s7 =	sshll.u32 s28, $0x1;
	[dreg:$0x2] =	wrdreg s5  }
0xbe: {  	[dreg:$0x3] =	wrdreg s7  }
0xbf: {  	[dreg:$0x4] =	wrdreg $0xC0  }
0xc0: {  	_ =	task [dreg:s22], $0x5FFFF  }
0xc1: {  	[dreg:$0x1] =	wrdreg $0xFFFFFFFF  }
0xc2: {  	[dreg:$0x0] =	wrdreg $0x60  }
0xc3: {  	[dreg:$0x2] =	wrdreg s2  }
0xc4: {  	[dreg:$0x3] =	wrdreg s24  }
0xc5: {  	[dreg:$0x4] =	wrdreg s17  }
0xc6: {  	[dreg:$0x5] =	wrdreg $0x9  }
0xc7: {  	_ =	task.clear_ibuf [dreg:s22], $0x6FFFF;
	_ =	strace $0x90000049  }
0xc8: {  	s29 =	simm.s32 $0x9;
	_ =	strace $0x8000004B  }
0xc9: {  	_ =	swait.ge [sflag:s29], $0x1  }
0xca: {  	[sflag:s29] =	ssyncadd.s32 $0xFFFFFFFF  }
0xcb: {  	_ =	strace $0x9000004B  }
0xcc: {  	_ =	sfence  }
0xcd: {  	s30 =	sld [smem:$0x0];
	_ =	sdelay $0x2  }
0xce: {  	s31 =	sshll.u32 s1, $0xD;
	s1 =	sshrl.u32 s1, $0x2  }
0xcf: {  	s4 =	sand.u32 $0x4000, s31;
	s1 =	sadd.s32 s1, s30  }
0xd0: {  	s0 =	sor.u32 s4, s0;
	s1 =	sshll.u32 s1, $0x11  }
0xd1: {  	s0 =	sor.u32 s1, s0  }
0xd2: {  	s0 =	sadd.s32 $0x8F2B, s0  }
0xd3: {  	[sflag:s0] =	ssyncadd.remote.s32 $0x1  }
0xd4: {  	_ =	sfence.sel $0xFFFF  }
0xd5: {  	[dreg:$0x0] =	wrdreg $0xFFFFFFFF;
	(pc) =	sbr.abs _section_cstart, $3  }
0xd6: {  	[dreg:$0x1] =	wrdreg $0xFFFFFFFF  }
0xd7: {  	_ =	task.clear_ibuf [dreg:s22], $0x2FFFF;
	_ =	strace $0x9FFFFFFF  }
0xd8: {  	(tm) =	ssettm $0x7FFFFFFF  }
0xd9: {  	_ =	shalt  }
tec
execute0_lowered:
.L_overlay_start_1:
0x0: {  	(tag) =	ssettag $0x1  }
0x1: {  	s1 =	rddreg [dreg:$0x0]  }
0x2: {  	s4 =	rddreg [dreg:$0x1]  }
0x3: {  	s2 =	srdreg.scid;
	s0 =	stileid.u32  }
0x4: {  	s6 =	rddreg [dreg:$0x2];
	s3 =	simm.s32 $0x0;
	s12 =	simm.s32 $0x1100  }
0x5: {  	s13 =	simm.s32 $0x1900;
	s14 =	simm.s32 $0x2100;
	s15 =	simm.s32 $0x2900  }
0x6: {  	s16 =	simm.s32 $0x3100;
	s17 =	simm.s32 $0x3900;
	s18 =	simm.s32 $0x4100  }
0x7: {  	s19 =	simm.s32 $0x4900;
	s20 =	simm.s32 $0x5100;
	s21 =	simm.s32 $0x5900  }
0x8: {  	s22 =	simm.s32 $0x6100;
	s23 =	simm.s32 $0x6900;
	s24 =	simm.s32 $0x7100  }
0x9: {  	s25 =	simm.s32 $0x7900;
	s26 =	simm.s32 $0x8100;
	s28 =	simm.s32 $0x8900  }
0xa: {  	s5 =	sand.u32 $0x1, s2;
	s7 =	sshll.u32 s0, $0x1;
	s2 =	rddreg [dreg:$0x3]  }
0xb: {  	s29 =	simm.s32 $0x1;
	[smem:$0x7FF] =	sst s3;
	s7 =	sor.u32 s5, s7  }
0xc: {  	s9 =	sadd.s32 $0xA00, s4;
	s5 =	ssub.s32 $0x2, s5;
	s8 =	smul.u32 $0x90, s7  }
0xd: {  	_ =	strace $0x8000004A;
	s30 =	sshrl.u32 s5, $0x1;
	s7 =	smul.u32 $0x1200, s7  }
0xe: {  	s11 =	ssub.s32 s5, s30;
	s10 =	sshrl.u32 s8, $0x3;
	s8 =	sadd.s32 $0x48, s8  }
0xf: {  	v2 =	vlaneseq.u32;
	s6 =	sadd.s32 s6, s7;
	s7 =	smax.u32 s11, $0x1;
	s11 =	simm.s32 $0x900  }
0x10: {  	vm0 =	vmmov $0xffff;
	v1 =	vshrl.u32 v2, $0x3;
	s4 =	sadd.s32 s9, s10;
	s31 =	sshrl.u32 s8, $0x3;
	s8 =	simm.s32 $0x2  }
0x11: {  	v0 =	vand.u32 $0x7, v2;
	v2 =	vor.u32 $0x8, v2;
	v1 =	vmul.u32 $0x8, v1;
	s10 =	simm.s32 $0x100;
	s5 =	sadd.s32 s9, s31;
	s9 =	simm.s32 $0x80  }
.LBB2_1:
0x12: {  	[tilespmem:s3], [sflag:$0x2] =	stream.linear.gather [hbm4b:s4+s3], $0x48, $0x38;
	[tilespmem:$0x9100] =	vst v63  }
0x13: {  	_ =	swait.ge [sflag:s8], $0x48  }
0x14: {  	[sflag:s8] =	ssyncset.done $0x0  }
0x15: {  	[sflag:s8] =	ssyncadd.s32 $0xFFFFFFB8  }
0x16: {  	[tilespmem:s9], [sflag:$0x2] =	stream.linear.gather [hbm4b:s5+s3], $0x48, $0x38;
	[tilespmem:$0x9100] =	vst v63  }
0x17: {  	_ =	swait.ge [sflag:s8], $0x48  }
0x18: {  	[sflag:s8] =	ssyncset.done $0x0  }
0x19: {  	[sflag:s8] =	ssyncadd.s32 $0xFFFFFFB8  }
0x1a: {  	v3 =	vld [tilespmem:$0x0];
	_ =	sdelay $0x4  }
0x1b: {  	v4 =	vshll.u32 v3, $0x1  }
0x1c: {  	v3 =	vand.u32 $0x7, v3;
	v4 =	vand.u32 $0xFFFFFFF0, v4  }
0x1d: {  	v3 =	vor.u32 v3, v4  }
0x1e: {  	v4 =	vperm.xlane v3, v0;
	_ =	sdelay $0x1  }
0x1f: {  	v3 =	vperm.xlane v3, v2;
	v4 =	vadd.s32 v1, v4;
	_ =	sdelay $0x1  }
0x20: {  	v3 =	vadd.s32 v1, v3;
	_ =	sdelay $0x2  }
0x21: {  	[tilespmem:s10], [sflag:$0x1] =	stream.indirect_vreg.gather [hbm4b:s1+s3], $0x80, v4, vm0, $0xb8;
	[tilespmem:$0x9100] =	vst v63  }
0x22: {  	_ = 	snop  }
0x23: {  	[tilespmem:s11], [sflag:$0x1] =	stream.indirect_vreg.gather [hbm4b:s1+s3], $0x80, v3, vm0, $0xb8;
	[tilespmem:$0x9100] =	vst v63  }
0x24: {  	v3 =	vld [tilespmem:$0x10];
	_ =	sdelay $0x4  }
0x25: {  	v55 =	vshll.u32 v3, $0x1  }
0x26: {  	v3 =	vand.u32 $0x7, v3;
	v4 =	vand.u32 $0xFFFFFFF0, v55  }
0x27: {  	v3 =	vor.u32 v3, v4  }
0x28: {  	v4 =	vperm.xlane v3, v0;
	_ =	sdelay $0x1  }
0x29: {  	v3 =	vperm.xlane v3, v2;
	v4 =	vadd.s32 v1, v4;
	_ =	sdelay $0x1  }
0x2a: {  	v3 =	vadd.s32 v1, v3;
	_ =	sdelay $0x2  }
0x2b: {  	[tilespmem:s12], [sflag:$0x1] =	stream.indirect_vreg.gather [hbm4b:s1+s3], $0x80, v4, vm0, $0xb8;
	[tilespmem:$0x9100] =	vst v63  }
0x2c: {  	_ = 	snop  }
0x2d: {  	[tilespmem:s13], [sflag:$0x1] =	stream.indirect_vreg.gather [hbm4b:s1+s3], $0x80, v3, vm0, $0xb8;
	[tilespmem:$0x9100] =	vst v63  }
0x2e: {  	v3 =	vld [tilespmem:$0x20];
	_ =	sdelay $0x4  }
0x2f: {  	v56 =	vshll.u32 v3, $0x1  }
0x30: {  	v3 =	vand.u32 $0x7, v3;
	v4 =	vand.u32 $0xFFFFFFF0, v56  }
0x31: {  	v3 =	vor.u32 v3, v4  }
0x32: {  	v4 =	vperm.xlane v3, v0;
	_ =	sdelay $0x1  }
0x33: {  	v3 =	vperm.xlane v3, v2;
	v4 =	vadd.s32 v1, v4;
	_ =	sdelay $0x1  }
0x34: {  	v3 =	vadd.s32 v1, v3;
	_ =	sdelay $0x2  }
0x35: {  	[tilespmem:s14], [sflag:$0x1] =	stream.indirect_vreg.gather [hbm4b:s1+s3], $0x80, v4, vm0, $0xb8;
	[tilespmem:$0x9100] =	vst v63  }
0x36: {  	_ = 	snop  }
0x37: {  	[tilespmem:s15], [sflag:$0x1] =	stream.indirect_vreg.gather [hbm4b:s1+s3], $0x80, v3, vm0, $0xb8;
	[tilespmem:$0x9100] =	vst v63  }
0x38: {  	v3 =	vld [tilespmem:$0x30];
	_ =	sdelay $0x4  }
0x39: {  	v57 =	vshll.u32 v3, $0x1  }
0x3a: {  	v3 =	vand.u32 $0x7, v3;
	v4 =	vand.u32 $0xFFFFFFF0, v57  }
0x3b: {  	v3 =	vor.u32 v3, v4  }
0x3c: {  	v4 =	vperm.xlane v3, v0;
	_ =	sdelay $0x1  }
0x3d: {  	v3 =	vperm.xlane v3, v2;
	v4 =	vadd.s32 v1, v4;
	_ =	sdelay $0x1  }
0x3e: {  	v3 =	vadd.s32 v1, v3;
	_ =	sdelay $0x2  }
0x3f: {  	[tilespmem:s16], [sflag:$0x1] =	stream.indirect_vreg.gather [hbm4b:s1+s3], $0x80, v4, vm0, $0xb8;
	[tilespmem:$0x9100] =	vst v63  }
0x40: {  	_ = 	snop  }
0x41: {  	[tilespmem:s17], [sflag:$0x1] =	stream.indirect_vreg.gather [hbm4b:s1+s3], $0x80, v3, vm0, $0xb8;
	[tilespmem:$0x9100] =	vst v63  }
0x42: {  	v3 =	vld.msk [tilespmem:$0x40], $0xff;
	_ =	sdelay $0x4  }
0x43: {  	v58 =	vshll.u32 v3, $0x1  }
0x44: {  	v3 =	vand.u32 $0x7, v3;
	v4 =	vand.u32 $0xFFFFFFF0, v58  }
0x45: {  	v3 =	vor.u32 v3, v4  }
0x46: {  	v3 =	vperm.xlane v3, v0;
	_ =	sdelay $0x1  }
0x47: {  	v3 =	vadd.s32 v1, v3;
	_ =	sdelay $0x4  }
0x48: {  	[tilespmem:s18], [sflag:$0x1] =	stream.indirect_vreg.gather [hbm4b:s1+s3], $0x80, v3, vm0, $0xb8;
	[tilespmem:$0x9100] =	vst v63  }
0x49: {  	v3 =	vld [tilespmem:$0x80];
	_ =	sdelay $0x4  }
0x4a: {  	v59 =	vshll.u32 v3, $0x1  }
0x4b: {  	v3 =	vand.u32 $0x7, v3;
	v4 =	vand.u32 $0xFFFFFFF0, v59  }
0x4c: {  	v3 =	vor.u32 v3, v4  }
0x4d: {  	v4 =	vperm.xlane v3, v0;
	_ =	sdelay $0x1  }
0x4e: {  	v3 =	vperm.xlane v3, v2;
	v4 =	vadd.s32 v1, v4;
	_ =	sdelay $0x1  }
0x4f: {  	v3 =	vadd.s32 v1, v3;
	_ =	sdelay $0x2  }
0x50: {  	[tilespmem:s19], [sflag:$0x1] =	stream.indirect_vreg.gather [hbm4b:s1+s3], $0x80, v4, vm0, $0xb8;
	[tilespmem:$0x9100] =	vst v63  }
0x51: {  	_ = 	snop  }
0x52: {  	[tilespmem:s20], [sflag:$0x1] =	stream.indirect_vreg.gather [hbm4b:s1+s3], $0x80, v3, vm0, $0xb8;
	[tilespmem:$0x9100] =	vst v63  }
0x53: {  	v3 =	vld [tilespmem:$0x90];
	_ =	sdelay $0x4  }
0x54: {  	v60 =	vshll.u32 v3, $0x1  }
0x55: {  	v3 =	vand.u32 $0x7, v3;
	v4 =	vand.u32 $0xFFFFFFF0, v60  }
0x56: {  	v3 =	vor.u32 v3, v4  }
0x57: {  	v4 =	vperm.xlane v3, v0;
	_ =	sdelay $0x1  }
0x58: {  	v3 =	vperm.xlane v3, v2;
	v4 =	vadd.s32 v1, v4;
	_ =	sdelay $0x1  }
0x59: {  	v3 =	vadd.s32 v1, v3;
	_ =	sdelay $0x2  }
0x5a: {  	[tilespmem:s21], [sflag:$0x1] =	stream.indirect_vreg.gather [hbm4b:s1+s3], $0x80, v4, vm0, $0xb8;
	[tilespmem:$0x9100] =	vst v63  }
0x5b: {  	_ = 	snop  }
0x5c: {  	[tilespmem:s22], [sflag:$0x1] =	stream.indirect_vreg.gather [hbm4b:s1+s3], $0x80, v3, vm0, $0xb8;
	[tilespmem:$0x9100] =	vst v63  }
0x5d: {  	v3 =	vld [tilespmem:$0xA0];
	_ =	sdelay $0x4  }
0x5e: {  	v61 =	vshll.u32 v3, $0x1  }
0x5f: {  	v3 =	vand.u32 $0x7, v3;
	v4 =	vand.u32 $0xFFFFFFF0, v61  }
0x60: {  	v3 =	vor.u32 v3, v4  }
0x61: {  	v4 =	vperm.xlane v3, v0;
	_ =	sdelay $0x1  }
0x62: {  	v3 =	vperm.xlane v3, v2;
	v4 =	vadd.s32 v1, v4;
	_ =	sdelay $0x1  }
0x63: {  	v3 =	vadd.s32 v1, v3;
	_ =	sdelay $0x2  }
0x64: {  	[tilespmem:s23], [sflag:$0x1] =	stream.indirect_vreg.gather [hbm4b:s1+s3], $0x80, v4, vm0, $0xb8;
	[tilespmem:$0x9100] =	vst v63  }
0x65: {  	_ = 	snop  }
0x66: {  	[tilespmem:s24], [sflag:$0x1] =	stream.indirect_vreg.gather [hbm4b:s1+s3], $0x80, v3, vm0, $0xb8;
	[tilespmem:$0x9100] =	vst v63  }
0x67: {  	v3 =	vld [tilespmem:$0xB0];
	_ =	sdelay $0x4  }
0x68: {  	v62 =	vshll.u32 v3, $0x1  }
0x69: {  	v3 =	vand.u32 $0x7, v3;
	v4 =	vand.u32 $0xFFFFFFF0, v62  }
0x6a: {  	v3 =	vor.u32 v3, v4  }
0x6b: {  	v4 =	vperm.xlane v3, v0;
	_ =	sdelay $0x1  }
0x6c: {  	v3 =	vperm.xlane v3, v2;
	v4 =	vadd.s32 v1, v4;
	_ =	sdelay $0x1  }
0x6d: {  	v3 =	vadd.s32 v1, v3;
	_ =	sdelay $0x2  }
0x6e: {  	[tilespmem:s25], [sflag:$0x1] =	stream.indirect_vreg.gather [hbm4b:s1+s3], $0x80, v4, vm0, $0xb8;
	[tilespmem:$0x9100] =	vst v63  }
0x6f: {  	_ = 	snop  }
0x70: {  	[tilespmem:s26], [sflag:$0x1] =	stream.indirect_vreg.gather [hbm4b:s1+s3], $0x80, v3, vm0, $0xb8;
	[tilespmem:$0x9100] =	vst v63  }
0x71: {  	v3 =	vld.msk [tilespmem:$0xC0], $0xff;
	_ =	sdelay $0x4  }
0x72: {  	v63 =	vshll.u32 v3, $0x1  }
0x73: {  	v3 =	vand.u32 $0x7, v3;
	v4 =	vand.u32 $0xFFFFFFF0, v63  }
0x74: {  	v3 =	vor.u32 v3, v4  }
0x75: {  	v3 =	vperm.xlane v3, v0;
	_ =	sdelay $0x1  }
0x76: {  	v3 =	vadd.s32 v1, v3;
	_ =	sdelay $0x4  }
0x77: {  	[tilespmem:s28], [sflag:$0x1] =	stream.indirect_vreg.gather [hbm4b:s1+s3], $0x80, v3, vm0, $0xb8;
	[tilespmem:$0x9100] =	vst v63  }
0x78: {  	_ =	swait.ge [sflag:s29], $0x4800  }
0x79: {  	[sflag:s29] =	ssyncset.done $0x0  }
0x7a: {  	[sflag:s29] =	ssyncadd.s32 $0xFFFFB800  }
0x7b: {  	_ =	swait.ge [sflag:s29], $0x4800  }
0x7c: {  	p0 =	sne.s32 s7, $0x1;
	[sflag:s29] =	ssyncset.done $0x0  }
.Ltmp0:
0x7d: {  	[sflag:s29] =	ssyncadd.s32 $0xFFFFB800;
	(pc) =	sbr.rel @p0 .LBB2_1-.Ltmp0, $4  }
0x7e: {  	[hbm4b:s6+s3] =	stream.linear.scatter [tilespmem:s10], [sflag:$0x2], $0x9000, $0x38;
	[tilespmem:$0x9100] =	vst v63  }
0x7f: {  	_ =	swait.ge [sflag:s8], $0x9000  }
0x80: {  	[sflag:s8] =	ssyncset.done $0x0  }
0x81: {  	s7 =	sadd.s32 $0xFFFFFFFF, s7;
	[sflag:s8] =	ssyncadd.s32 $0xFFFF7000  }
0x82: {  	_ =	sfence.sel $0x180000  }
0x83: {  	[bflag:$0x0] =	sbarrier.arrive $0xFFFF  }
0x84: {  	p0 =	sne.s32 s0, $0x0;
	_ =	strace $0x9000004A  }
0x85: {  	s0 =	sadd.s32 @!p0 $0x100000, s2;
	[bflag:$0x2] =	sbarrier.arrive $0xFFFF  }
0x86: {  	[sflag:s0] =	ssyncadd.tile.s32 @!p0 $0x1;
	_ =	shalt  }
.Lfunc_end2:
_tile_overlayer_lowered:
.L_overlay_start_2:
0x87: {  	(tag) =	ssettag $0x2  }
0x88: {  	s0 =	rddreg [dreg:$0x0];
	s2 =	stileid.u32  }
0x89: {  	s1 =	rddreg [dreg:$0x1];
	p0 =	sne.s32 s2, $0x0  }
0x8a: {  	s3 =	rddreg [dreg:$0x2];
	[bflag:$0x3] =	sbarrier.arrive $0xFFFF;
	s2 =	simm.s32 @!p0 $0x1C02  }
0x8b: {  	[timem:s3], [sflag:s2] =	dma.local @!p0 [hbm:s0], s1  }
0x8c: {  	s0 =	simm.s32 @!p0 $0x2  }
0x8d: {  	_ =	swait.ge @!p0 [sflag:s0], s1  }
0x8e: {  	s1 =	ssub.s32 @!p0 $0x0, s1;
	[sflag:s0] =	ssyncset.done @!p0 $0x0  }
0x8f: {  	[sflag:s0] =	ssyncadd.s32 @!p0 s1  }
0x90: {  	[bflag:$0x3] =	sbarrier.arrive $0xFFFF  }
0x91: {  	_ =	shalt  }

// kernel: kernel.9.cloned.1.call-start
scs
__scs_entry_jumppad:
0x0: {  	(pc) =	sbr.rel $0x88, $3  }
0x1: {  	(tag) =	ssettag $0x0;
	lr =	simm.s32 $0x1  }
0x2: {  	[smem:$0x3F9D] =	sst lr;
	_ =	strace $0xD0000000  }
0x3: {  	_ = 	snop  }
0x4: {  	_ = 	snop  }
0x5: {  	_ = 	snop  }
0x6: {  	_ = 	snop  }
0x7: {  	_ = 	snop  }
__scs_overlays_trampoline_lowered:
0x8: {  	[smem:$0x3FAC] =	sst s0  }
0x9: {  	[smem:$0x3FAD] =	sst s1  }
0xa: {  	[smem:$0x3FAE] =	sst s2  }
0xb: {  	[smem:$0x3FAF] =	sst s3  }
0xc: {  	[smem:$0x3FB0] =	sst s4  }
0xd: {  	[smem:$0x3FB1] =	sst s5  }
0xe: {  	[smem:$0x3FB2] =	sst s6  }
0xf: {  	[smem:$0x3FB3] =	sst s7  }
0x10: {  	[smem:$0x3FB4] =	sst s8  }
0x11: {  	[smem:$0x3FB5] =	sst s9;
	s0 =	simm.s32 @!p0 $0x0  }
0x12: {  	s1 =	sld [smem:$0x3F9B];
	s0 =	simm.s32 @p0 $0x1  }
0x13: {  	[smem:$0x3FB6] =	sst s0;
	s0 =	simm.s32 @!p1 $0x0  }
0x14: {  	s2 =	sld [smem:$0x3F9A];
	s0 =	simm.s32 @p1 $0x1  }
0x15: {  	[smem:$0x3FB7] =	sst s0;
	s0 =	simm.s32 @!p2 $0x0  }
0x16: {  	s3 =	sld [smem:$0x3FDB];
	s0 =	simm.s32 @p2 $0x1  }
0x17: {  	s4 =	simm.s32 $0x1BF5;
	[smem:$0x3FB9] =	sst s0  }
0x18: {  	s0 =	sld [smem:$0x3F9C];
	_ =	swait.ge [sflag:s4], $0x0  }
0x19: {  	s7 =	sld [smem:$0x3F9D]  }
0x1a: {  	s8 =	sadd.s32 $0xFFFFE003, lr  }
0x1b: {  	s9 =	sadd.s32 $0xFFFFFEF7, lr;
	s5 =	simm.s32 $0xFFFFFFFF;
	p2 =	slt.u32 s8, $0xFFFFF086  }
0x1c: {  	p1 =	slt.u32 s9, $0xF7A;
	s5 =	simm.s32 @!p2 $0x0  }
0x1d: {  	s5 =	simm.s32 @p1 $0x1;
	p0 =	seq.s32 s7, s2  }
0x1e: {  	s7 =	smul.u32 @!p0 $0xF7A, s2;
	p2 =	seq.s32 @!p0 s5, $0x0  }
0x1f: {  	s9 =	smul.u32 $0xF7A, s1;
	s8 =	simm.s32 @!p0 $0x1BF5;
	p2 =	por !p2, p0  }
0x20: {  	[sflag:s8] =	ssyncset.s32 @!p0 $0xFFFFF086;
	s6 =	sadd.s32 @!p0 s3, s7;
	s7 =	simm.s32 @!p0 $0x108  }
0x21: {  	s3 =	sadd.s32 s3, s9;
	s6 =	sadd.s32 @!p0 $0x88, s6;
	s7 =	simm.s32 @p2 $0x1082  }
0x22: {  	[simem:s7], [sflag:s8] =	dma.local @!p0 [hbm:s6], $0xF7A  }
0x23: {  	s9 =	sor.u32 $0xD0000000, s2;
	s6 =	simm.s32 $0x108;
	_ =	swait.ge @!p0 [sflag:s8], $0x0  }
0x24: {  	s3 =	sadd.s32 $0x88, s3;
	s6 =	simm.s32 @!p1 $0x1082;
	[sflag:s4] =	ssyncset.s32 $0xFFFFF086  }
0x25: {  	[simem:s6], [sflag:s4] =	dma.local [hbm:s3], $0xF7A  }
0x26: {  	[smem:$0x3F9D] =	sst s1;
	(tag) =	ssettag s2;
	_ =	strace s9  }
0x27: {  	s1 =	sld [smem:$0x3FAD]  }
0x28: {  	s2 =	sld [smem:$0x3FAE]  }
0x29: {  	s4 =	sld [smem:$0x3FB0]  }
0x2a: {  	p0 =	seq.s32 s5, $0x0;
	s5 =	sld [smem:$0x3FB1]  }
0x2b: {  	s6 =	sld [smem:$0x3FB2]  }
0x2c: {  	s7 =	sld [smem:$0x3FB3]  }
0x2d: {  	s3 =	simm.s32 $0x108;
	s8 =	sld [smem:$0x3FB4]  }
0x2e: {  	s3 =	simm.s32 @!p0 $0x1082;
	s9 =	sld [smem:$0x3FB5]  }
0x2f: {  	lr =	sadd.s32 s0, s3;
	s0 =	sld [smem:$0x3FAC]  }
0x30: {  	s3 =	sld [smem:$0x3FAF]  }
0x31: {  	[smem:$0x3FB8] =	sst s10  }
0x32: {  	s10 =	sld [smem:$0x3FB6];
	_ =	sdelay $0x3  }
0x33: {  	p0 =	seq.s32 s10, $0x1;
	s10 =	sld [smem:$0x3FB8];
	_ =	sdelay $0x3  }
0x34: {  	[smem:$0x3FB8] =	sst s10  }
0x35: {  	s10 =	sld [smem:$0x3FB7];
	_ =	sdelay $0x3  }
0x36: {  	p1 =	seq.s32 s10, $0x1;
	s10 =	sld [smem:$0x3FB8];
	_ =	sdelay $0x3  }
0x37: {  	[smem:$0x3FB8] =	sst s10  }
0x38: {  	s10 =	sld [smem:$0x3FB9]  }
0x39: {  	_ = 	snop;
	(pc) =	sbr.ind lr, $3  }
0x3a: {  	_ = 	snop  }
0x3b: {  	_ = 	snop  }
0x3c: {  	p2 =	seq.s32 s10, $0x1;
	s10 =	sld [smem:$0x3FB8]  }
0x3d: {  	_ =	shalt  }
0x3e: {  	_ =	shalt  }
0x3f: {  	_ =	shalt  }
0x40: {  	_ =	shalt  }
0x41: {  	_ =	shalt  }
0x42: {  	_ =	shalt  }
0x43: {  	_ =	shalt  }
0x44: {  	_ =	shalt  }
0x45: {  	_ =	shalt  }
0x46: {  	_ =	shalt  }
0x47: {  	_ =	shalt  }
0x48: {  	_ =	shalt  }
0x49: {  	_ =	shalt  }
0x4a: {  	_ =	shalt  }
0x4b: {  	_ =	shalt  }
0x4c: {  	_ =	shalt  }
0x4d: {  	_ =	shalt  }
0x4e: {  	_ =	shalt  }
0x4f: {  	_ =	shalt  }
0x50: {  	_ =	shalt  }
0x51: {  	_ =	shalt  }
0x52: {  	_ =	shalt  }
0x53: {  	_ =	shalt  }
0x54: {  	_ =	shalt  }
0x55: {  	_ =	shalt  }
0x56: {  	_ =	shalt  }
0x57: {  	_ =	shalt  }
0x58: {  	_ =	shalt  }
0x59: {  	_ =	shalt  }
0x5a: {  	_ =	shalt  }
0x5b: {  	_ =	shalt  }
0x5c: {  	_ =	shalt  }
0x5d: {  	_ =	shalt  }
0x5e: {  	_ =	shalt  }
0x5f: {  	_ =	shalt  }
0x60: {  	_ =	shalt  }
0x61: {  	_ =	shalt  }
0x62: {  	_ =	shalt  }
0x63: {  	_ =	shalt  }
0x64: {  	_ =	shalt  }
0x65: {  	_ =	shalt  }
0x66: {  	_ =	shalt  }
0x67: {  	_ =	shalt  }
0x68: {  	_ =	shalt  }
0x69: {  	_ =	shalt  }
0x6a: {  	_ =	shalt  }
0x6b: {  	_ =	shalt  }
0x6c: {  	_ =	shalt  }
0x6d: {  	_ =	shalt  }
0x6e: {  	_ =	shalt  }
0x6f: {  	_ =	shalt  }
0x70: {  	_ =	shalt  }
0x71: {  	_ =	shalt  }
0x72: {  	_ =	shalt  }
0x73: {  	_ =	shalt  }
0x74: {  	_ =	shalt  }
0x75: {  	_ =	shalt  }
0x76: {  	_ =	shalt  }
0x77: {  	_ =	shalt  }
0x78: {  	_ =	shalt  }
0x79: {  	_ =	shalt  }
0x7a: {  	_ =	shalt  }
0x7b: {  	_ =	shalt  }
0x7c: {  	_ =	shalt  }
0x7d: {  	_ =	shalt  }
0x7e: {  	_ =	shalt  }
0x7f: {  	_ =	shalt  }
0x80: {  	_ =	shalt  }
0x81: {  	_ =	shalt  }
0x82: {  	_ =	shalt  }
0x83: {  	_ =	shalt  }
0x84: {  	_ =	shalt  }
0x85: {  	_ =	shalt  }
0x86: {  	_ =	shalt  }
0x87: {  	_ =	shalt  }
.Lfunc_end0:
.L_simem_size_0:
called_computation.1_lowered:
.L_overlay_start_0:
0x88: {  	s2 =	sld [smem:$0x3FD9]  }
0x89: {  	s3 =	sld [smem:$0x3FFE];
	_ =	sdelay $0x1  }
0x8a: {  	s1 =	srdreg.scid  }
0x8b: {  	s0 =	sand.u32 $0x1, s1  }
0x8c: {  	s16 =	sshll.u32 s0, $0xA;
	s2 =	sadd.s32 s3, s2  }
0x8d: {  	s2 =	sadd.s32 s2, s16  }
0x8e: {  	[smem:$0x3FC4] =	sst s2  }
0x8f: {  	_ = 	snop  }
0x90: {  	(tm) =	ssettm $0x1  }
0x91: {  	s17 =	sld [smem:$0x3FFB];
	_ =	sdelay $0x3  }
0x92: {  	_ =	strace s17  }
0x93: {  	s2 =	sld [smem:$0x3FFC];
	_ =	sdelay $0x3  }
0x94: {  	_ =	strace s2  }
0x95: {  	s2 =	sld [smem:$0x3FFD];
	_ =	sdelay $0x3  }
0x96: {  	_ =	strace s2  }
0x97: {  	_ =	strace $0x8FFFFFFF  }
0x98: {  	s18 =	sld [smem:$0x3FDB];
	_ =	sdelay $0x1  }
0x99: {  	s19 =	simm.s32 $_scs_section_size  }
0x9a: {  	s4 =	simm.s32 $_size__tile_overlayer_lowered;
	s5 =	simm.s32 $_tile_overlayer_lowered  }
0x9b: {  	s22 =	simm.s32 $0x1BFF;
	s21 =	sshll.u32 s5, $0x1;
	s2 =	sadd.s32 s19, s18  }
0x9c: {  	s6 =	simm.s32 $0x0;
	s20 =	sshll.u32 s4, $0x1;
	s4 =	sadd.s32 s21, s2  }
0x9d: {  	[timem:s6], [sflag:s22] =	dma.local [hbm:s4], s20  }
0x9e: {  	_ =	swait.ge [sflag:s22], s20  }
0x9f: {  	s3 =	ssub.s32 $0x0, s20;
	[sflag:s22] =	ssyncset.done $0x0  }
0xa0: {  	[sflag:s22] =	ssyncadd.s32 s3;
	_ =	sdelay $0x1  }
0xa1: {  	s23 =	simm.s32 $0x1B8B  }
0xa2: {  	_ =	swait.ge [sflag:s23], $0x1  }
0xa3: {  	[sflag:s23] =	ssyncset.done $0x0  }
0xa4: {  	s25 =	simm.s32 $0x1B8E;
	s24 =	sld [smem:$0x3FFE];
	[sflag:s23] =	ssyncadd.s32 $0xFFFFFFFF  }
0xa5: {  	s26 =	simm.s32 $execute0_lowered;
	[smem:$0x3FD2] =	sst s25  }
0xa6: {  	s4 =	sshll.u32 s26, $0x1;
	_ =	strace $0x80000046;
	[dreg:$0x1] =	wrdreg $0xFFFFFFFF  }
0xa7: {  	s28 =	simm.s32 $_size_execute0_lowered;
	s2 =	sadd.s32 s2, s4;
	[dreg:$0x0] =	wrdreg $0x0  }
0xa8: {  	s4 =	sshll.u32 s28, $0x1;
	[dreg:$0x2] =	wrdreg s2  }
0xa9: {  	[dreg:$0x3] =	wrdreg s4  }
0xaa: {  	[dreg:$0x4] =	wrdreg $0xC0  }
0xab: {  	_ =	task [dreg:s6], $0x5FFFF  }
0xac: {  	[dreg:$0x1] =	wrdreg $0xFFFFFFFF  }
0xad: {  	[dreg:$0x0] =	wrdreg $0x60  }
0xae: {  	[dreg:$0x2] =	wrdreg s24  }
0xaf: {  	[dreg:$0x3] =	wrdreg $0x25100  }
0xb0: {  	[dreg:$0x4] =	wrdreg $0xA  }
0xb1: {  	_ =	task.clear_ibuf [dreg:s6], $0x5FFFF;
	_ =	strace $0x90000046  }
0xb2: {  	s29 =	simm.s32 $0xA;
	_ =	strace $0x80000048  }
0xb3: {  	_ =	swait.ge [sflag:s29], $0x1  }
0xb4: {  	[sflag:s29] =	ssyncadd.s32 $0xFFFFFFFF  }
0xb5: {  	_ =	strace $0x90000048  }
0xb6: {  	_ =	sfence  }
0xb7: {  	s30 =	sld [smem:$0x0];
	_ =	sdelay $0x2  }
0xb8: {  	s31 =	sshll.u32 s1, $0xD;
	s1 =	sshrl.u32 s1, $0x2  }
0xb9: {  	s3 =	sand.u32 $0x4000, s31;
	s1 =	sadd.s32 s1, s30  }
0xba: {  	s0 =	sor.u32 s3, s0;
	s1 =	sshll.u32 s1, $0x11  }
0xbb: {  	s0 =	sor.u32 s1, s0  }
0xbc: {  	s0 =	sadd.s32 $0x8F2B, s0  }
0xbd: {  	[sflag:s0] =	ssyncadd.remote.s32 $0x1  }
0xbe: {  	_ =	sfence.sel $0xFFFF  }
0xbf: {  	[dreg:$0x0] =	wrdreg $0xFFFFFFFF;
	(pc) =	sbr.abs _section_cstart, $3  }
0xc0: {  	[dreg:$0x1] =	wrdreg $0xFFFFFFFF  }
0xc1: {  	_ =	task.clear_ibuf [dreg:s6], $0x2FFFF;
	_ =	strace $0x9FFFFFFF  }
0xc2: {  	(tm) =	ssettm $0x7FFFFFFF  }
0xc3: {  	_ =	shalt  }
tec
execute0_lowered:
.L_overlay_start_1:
0x0: {  	(tag) =	ssettag $0x1  }
0x1: {  	s4 =	rddreg [dreg:$0x0]  }
0x2: {  	s2 =	rddreg [dreg:$0x1]  }
0x3: {  	s0 =	rddreg [dreg:$0x2];
	s5 =	srdreg.scid  }
0x4: {  	s3 =	simm.s32 $0x0;
	s1 =	stileid.u32;
	s12 =	simm.s32 $0x90  }
0x5: {  	s15 =	simm.s32 $0x0;
	s5 =	sand.u32 $0x1, s5;
	s6 =	sshll.u32 s1, $0xD  }
0x6: {  	s8 =	sshll.u32 s1, $0x1;
	[smem:$0x7FF] =	sst s3;
	s9 =	sadd.s32 $0xA00, s4  }
0x7: {  	s13 =	sshll.u32 s1, $0x6;
	s7 =	sshll.u32 s5, $0x11;
	s8 =	sor.u32 s5, s8  }
0x8: {  	_ =	strace $0x80000047;
	s30 =	ssub.s32 $0x2, s5;
	s13 =	sor.u32 $0x1C01, s13  }
0x9: {  	s7 =	sor.u32 s6, s7;
	s8 =	smul.u32 $0x90, s8;
	s5 =	sshrl.u32 s30, $0x1  }
0xa: {  	s6 =	sadd.s32 s6, s2;
	s7 =	sshrl.u32 s7, $0x3;
	s11 =	ssub.s32 s30, s5  }
0xb: {  	s14 =	sshrl.u32 s6, $0x3;
	s10 =	sshrl.u32 s8, $0x3;
	s8 =	sadd.s32 $0x48, s8  }
0xc: {  	s7 =	sadd.s32 s7, s4;
	s4 =	sadd.s32 s9, s10;
	s31 =	sshrl.u32 s8, $0x3  }
0xd: {  	s7 =	sadd.s32 $0xE00, s7;
	s8 =	smax.u32 s11, $0x1;
	s10 =	simm.s32 $0x48  }
0xe: {  	v0 =	vimm.f32 $1.000000000e+00;
	v1 =	vimm.f32 $0.0e+00;
	s11 =	simm.s32 $0x510;
	s5 =	sadd.s32 s9, s31;
	s9 =	simm.s32 $0x1  }
.LBB2_1:
0xf: {  	[tilespmem:s3], [sflag:$0x1] =	stream.linear.gather [hbm4b:s4+s3], $0x48, $0x38;
	[tilespmem:$0x4510] =	vst v63  }
0x10: {  	_ =	swait.ge [sflag:s9], $0x48  }
0x11: {  	[sflag:s9] =	ssyncset.done $0x0  }
0x12: {  	[sflag:s9] =	ssyncadd.s32 $0xFFFFFFB8  }
0x13: {  	[tilespmem:s10], [sflag:$0x1] =	stream.linear.gather [hbm4b:s5+s3], $0x48, $0x38;
	[tilespmem:$0x4510] =	vst v63  }
0x14: {  	_ =	swait.ge [sflag:s9], $0x48  }
0x15: {  	[sflag:s9] =	ssyncset.done $0x0  }
0x16: {  	s16 =	simm.s32 $0x0;
	[sflag:s9] =	ssyncadd.s32 $0xFFFFFFB8  }
.LBB2_2:
0x17: {  	p0 =	sne.s32 s16, $0x11C0  }
.Ltmp0:
0x18: {  	_ = 	snop;
	(pc) =	sbr.rel @p0 .LBB2_2-.Ltmp0, $3  }
0x19: {  	_ =	sdelay $0x1  }
0x1a: {  	s17 =	sshra.s32 s16, $0x2  }
0x1b: {  	s16 =	sadd.s32 $0x40, s16;
	[tilespmem:s17+$0x90] =	vst v0  }
0x1c: {  	s16 =	simm.s32 $0x40;
	s17 =	simm.s32 $0x0  }
.LBB2_4:
0x1d: {  	p0 =	sne.s32 s16, $0x7FC0;
	[tilespmem:s17+$0x510] =	vst v1;
	s17 =	smov.u32 s16;
	s16 =	sadd.s32 $0x40, s16  }
.Ltmp1:
0x1e: {  	(pc) =	sbr.rel @p0 .LBB2_4-.Ltmp1, $2  }
0x1f: {  	_ =	sdelay $0x2  }
0x20: {  	s17 =	sshra.s32 s17, $0x2  }
0x21: {  	[tilespmem:s17+$0x510] =	vst v1  }
0x22: {  	[spmem:s6] =	stream.linear.scatter [tilespmem:s11], [sflag:$0x1], $0x2000, $0x38;
	[tilespmem:$0x4510] =	vst v63  }
0x23: {  	_ =	swait.ge [sflag:s9], $0x2000  }
0x24: {  	[sflag:s9] =	ssyncset.done $0x0  }
0x25: {  	[sflag:s9] =	ssyncadd.s32 $0xFFFFE000  }
0x26: {  	[bflag:$0x0] =	sbarrier.arrive $0xFFFF  }
0x27: {  	[spmem:s2] =	stream.indirect.scatter.add.f32 [tilespmem:s12], [sflag:$0x1], $0x10, s3, s10, $0xb8;
	[tilespmem:$0x4510] =	vst v63  }
0x28: {  	_ =	swait.ge [sflag:s9], $0x480  }
0x29: {  	[sflag:s9] =	ssyncset.done $0x0  }
0x2a: {  	[sflag:s9] =	ssyncadd.s32 $0xFFFFFB80  }
0x2b: {  	[spmem:s2] =	stream.indirect.scatter.add.f32 [tilespmem:s12], [sflag:$0x1], $0x10, s10, s10, $0xb8;
	[tilespmem:$0x4510] =	vst v63  }
0x2c: {  	_ =	swait.ge [sflag:s9], $0x480  }
0x2d: {  	s15 =	sadd.s32 $0x1, s15;
	[sflag:s9] =	ssyncset.done $0x0  }
0x2e: {  	p0 =	sne.s32 s15, s8;
	[sflag:s9] =	ssyncadd.s32 $0xFFFFFB80  }
.Ltmp2:
0x2f: {  	[bflag:$0x0] =	sbarrier.arrive $0xFFFF;
	(pc) =	sbr.rel @p0 .LBB2_1-.Ltmp2, $4  }
0x30: {  	[hbm:s7], [sflag:s13] =	dma.local [spmem:s14], $0x400  }
0x31: {  	_ =	swait.ge [sflag:s9], $0x400  }
0x32: {  	[sflag:s9] =	ssyncset.done $0x0  }
0x33: {  	[sflag:s9] =	ssyncadd.s32 $0xFFFFFC00  }
0x34: {  	_ =	sfence.sel $0x180000  }
0x35: {  	[bflag:$0x0] =	sbarrier.arrive $0xFFFF  }
0x36: {  	p0 =	sne.s32 s1, $0x0;
	_ =	strace $0x90000047  }
0x37: {  	s0 =	sadd.s32 @!p0 $0x100000, s0;
	[bflag:$0x2] =	sbarrier.arrive $0xFFFF  }
0x38: {  	[sflag:s0] =	ssyncadd.tile.s32 @!p0 $0x1;
	_ =	shalt  }
.Lfunc_end2:
_tile_overlayer_lowered:
.L_overlay_start_2:
0x39: {  	(tag) =	ssettag $0x2  }
0x3a: {  	s0 =	rddreg [dreg:$0x0];
	s2 =	stileid.u32  }
0x3b: {  	s1 =	rddreg [dreg:$0x1];
	p0 =	sne.s32 s2, $0x0  }
0x3c: {  	s3 =	rddreg [dreg:$0x2];
	[bflag:$0x3] =	sbarrier.arrive $0xFFFF;
	s2 =	simm.s32 @!p0 $0x1C01  }
0x3d: {  	[timem:s3], [sflag:s2] =	dma.local @!p0 [hbm:s0], s1  }
0x3e: {  	s0 =	simm.s32 @!p0 $0x1  }
0x3f: {  	_ =	swait.ge @!p0 [sflag:s0], s1  }
0x40: {  	s1 =	ssub.s32 @!p0 $0x0, s1;
	[sflag:s0] =	ssyncset.done @!p0 $0x0  }
0x41: {  	[sflag:s0] =	ssyncadd.s32 @!p0 s1  }
0x42: {  	[bflag:$0x3] =	sbarrier.arrive $0xFFFF  }
0x43: {  	_ =	shalt  }

</sc_bundles>
